<compile_context>
chip_gen: v7x
topology: tpu7x:2x2x1
jax: 0.10.2.dev20260603
libtpu: 0.0.44.dev20260713+nightly
codegen_flags: <defaults>
</compile_context>

<pallas_src>
import functools

import jax
import jax.numpy as jnp
from jax import lax
from jax.experimental import pallas as pl
from jax.experimental.pallas import tpu as pltpu
from jax.experimental.pallas import tpu_sc as plsc

N_ENTITIES = 14541
EMBED_DIM = 128
BATCH = 16384

NUM_CORES = 2
NUM_SUBCORES = 16
N_WORKERS = NUM_CORES * NUM_SUBCORES
PER_WORKER = BATCH // N_WORKERS
CHUNK = 128
N_CHUNKS = PER_WORKER // CHUNK
LANES = 16
GROUPS = CHUNK // LANES


NBUF = 3


def _sc_body(head_hbm, tail_hbm, rel_hbm, table_hbm, w_hbm, b_hbm, out_hbm,
             hidx_v, tidx_v, rel_v, w2d, b_pad, out_v,
             sem0, sem1, sem2, sem_i, sem_o, sem_w,
             hrows0, trows0, hrows1, trows1, hrows2, trows2):
    wid = lax.axis_index("s") * NUM_CORES + lax.axis_index("c")
    base = wid * PER_WORKER

    hi_d = pltpu.async_copy(head_hbm.at[pl.ds(base, PER_WORKER)], hidx_v, sem_i)
    ti_d = pltpu.async_copy(tail_hbm.at[pl.ds(base, PER_WORKER)], tidx_v, sem_i)
    b_pad[...] = jnp.zeros((LANES,), jnp.float32)
    pltpu.sync_copy(rel_hbm, rel_v)
    w_d = pltpu.async_copy(w_hbm.at[rel_v], w2d, sem_w)
    b_d = pltpu.async_copy(b_hbm.at[rel_v], b_pad.at[pl.ds(0, 1)], sem_w)
    hi_d.wait()
    ti_d.wait()

    bufs = ((hrows0, trows0, sem0), (hrows1, trows1, sem1),
            (hrows2, trows2, sem2))

    def fire(c, buf):
        hrows, trows, sem = bufs[buf]
        hd = pltpu.async_copy(table_hbm.at[hidx_v.at[pl.ds(c * CHUNK, CHUNK)]],
                              hrows, sem)
        td = pltpu.async_copy(table_hbm.at[tidx_v.at[pl.ds(c * CHUNK, CHUNK)]],
                              trows, sem)
        return hd, td

    lane_iota = jax.lax.iota(jnp.int32, LANES)
    last_lane = lane_iota == (LANES - 1)

    def compute_chunk(hrows, trows, c):
        @plsc.parallel_loop(0, CHUNK, unroll=2)
        def _item(i):
            p = [hrows[i, pl.ds(k * LANES, LANES)]
                 * trows[i, pl.ds(k * LANES, LANES)] * wk[k]
                 for k in range(EMBED_DIM // LANES)]
            s01, s23 = p[0] + p[1], p[2] + p[3]
            s45, s67 = p[4] + p[5], p[6] + p[7]
            tot = ((s01 + s23) + (s45 + s67)) + bv
            csum = plsc.cumsum(tot)
            prob = 1.0 / (1.0 + jnp.exp(-csum))
            plsc.store_compressed(out_v.at[pl.ds(c * CHUNK + i, LANES)],
                                  prob, mask=last_lane)

    descs = [fire(c, c) for c in range(min(NBUF - 1, N_CHUNKS))]

    w_d.wait()
    b_d.wait()
    bv = b_pad[...]
    wk = [w2d[0, pl.ds(k * LANES, LANES)] for k in range(EMBED_DIM // LANES)]

    out_descs = []
    for c in range(N_CHUNKS):
        buf = c % NBUF
        hd, td = descs[c]
        nxt = c + NBUF - 1
        if nxt < N_CHUNKS:
            descs.append(fire(nxt, nxt % NBUF))
        hd.wait()
        td.wait()
        hrows, trows, _sem = bufs[buf]
        compute_chunk(hrows, trows, c)

        out_descs.append(pltpu.async_copy(
            out_v.at[pl.ds(c * CHUNK, CHUNK)],
            out_hbm.at[pl.ds(base + c * CHUNK, CHUNK)], sem_o))

    for d in out_descs:
        d.wait()


def kernel(head, tail, rel, embed_table, logreg_W, logreg_b):
    rel_arr = jnp.asarray(rel, jnp.int32).reshape(1)

    mesh = plsc.VectorSubcoreMesh(core_axis_name="c", subcore_axis_name="s",
                                  num_cores=NUM_CORES, num_subcores=NUM_SUBCORES)
    run = pl.kernel(
        _sc_body,
        out_type=jax.ShapeDtypeStruct((BATCH,), jnp.float32),
        mesh=mesh,
        compiler_params=pltpu.CompilerParams(needs_layout_passes=False),
        scratch_types=[
            pltpu.VMEM((PER_WORKER,), jnp.int32),
            pltpu.VMEM((PER_WORKER,), jnp.int32),
            pltpu.VMEM((1,), jnp.int32),
            pltpu.VMEM((1, EMBED_DIM), jnp.float32),
            pltpu.VMEM((LANES,), jnp.float32),
            pltpu.VMEM((PER_WORKER + LANES,), jnp.float32),
            pltpu.SemaphoreType.DMA,
            pltpu.SemaphoreType.DMA,
            pltpu.SemaphoreType.DMA,
            pltpu.SemaphoreType.DMA,
            pltpu.SemaphoreType.DMA,
            pltpu.SemaphoreType.DMA,
            pltpu.VMEM((CHUNK, EMBED_DIM), jnp.float32),
            pltpu.VMEM((CHUNK, EMBED_DIM), jnp.float32),
            pltpu.VMEM((CHUNK, EMBED_DIM), jnp.float32),
            pltpu.VMEM((CHUNK, EMBED_DIM), jnp.float32),
            pltpu.VMEM((CHUNK, EMBED_DIM), jnp.float32),
            pltpu.VMEM((CHUNK, EMBED_DIM), jnp.float32),
        ],
    )
    return run(head, tail, rel_arr, embed_table, logreg_W, logreg_b)

# --- scband reference (transcript-rebuilt; emitter-appended) ---
"""Pipeline reference for scband-node2-vec-64776696758480 (READ-ONLY COPY).

The authoritative reference and input builder live on the scoring server;
editing this copy changes nothing except your own understanding.
"""

import jax, jax.numpy as jnp
import numpy as np

N_ENTITIES = 14541
EMBED_DIM = 128
N_RELATIONS = 237
BATCH = 16384


def setup_inputs(seed: int = 0) -> dict:
    key = jax.random.key(seed)
    k1, k2, k3, k4, k5 = jax.random.split(key, 5)
    head = jax.random.randint(k1, (BATCH,), 0, N_ENTITIES, dtype=jnp.int64 if jax.config.jax_enable_x64 else jnp.int32).astype(jnp.int32)
    tail = jax.random.randint(k2, (BATCH,), 0, N_ENTITIES).astype(jnp.int32)
    # learned / loaded parameters: node2vec embedding table + per-relation logreg models
    embed_table = jax.random.normal(k3, (N_ENTITIES, EMBED_DIM), dtype=jnp.float32) * 0.1
    logreg_W = jax.random.normal(k4, (N_RELATIONS, EMBED_DIM), dtype=jnp.float32) * 0.1
    logreg_b = jax.random.normal(k5, (N_RELATIONS,), dtype=jnp.float32) * 0.1
    return {
        "head": head,
        "tail": tail,
        "rel": 5,
        "embed_table": embed_table,
        "logreg_W": logreg_W,
        "logreg_b": logreg_b,
    }


def reference(head, tail, rel, embed_table, logreg_W, logreg_b):
    # score(head, rel, tail): gather head/tail embeddings, Hadamard product,
    # then per-relation logistic regression (predict_proba[:, 1]).
    h_embed = jnp.take(embed_table, head, axis=0)
    t_embed = jnp.take(embed_table, tail, axis=0)
    hammard_prod = h_embed * t_embed
    logits = hammard_prod @ logreg_W[rel] + logreg_b[rel]
    prob = jax.nn.sigmoid(logits)
    return prob

if __name__ == "__main__":
    import jax
    _d = setup_inputs()
    print(jax.jit(kernel)(*tuple(_d.values())))

</pallas_src>

<mosaic_0001>
#map = affine_map<(d0, d1) -> (0)>
#map1 = affine_map<(d0, d1) -> (0, 0)>
module attributes {stable_mosaic.version = 14 : i64} {
  func.func @_sc_body(%arg0: i32, %arg1: i32, %arg2: memref<16384xi32, #tpu.memory_space<hbm>>, %arg3: memref<16384xi32, #tpu.memory_space<hbm>>, %arg4: memref<1xi32, #tpu.memory_space<hbm>>, %arg5: memref<14541x128xf32, #tpu.memory_space<hbm>>, %arg6: memref<237x128xf32, #tpu.memory_space<hbm>>, %arg7: memref<237xf32, #tpu.memory_space<hbm>>, %arg8: memref<16384xf32, #tpu.memory_space<hbm>>, %arg9: memref<512xi32, #tpu.memory_space<vmem>>, %arg10: memref<512xi32, #tpu.memory_space<vmem>>, %arg11: memref<1xi32, #tpu.memory_space<vmem>>, %arg12: memref<1x128xf32, #tpu.memory_space<vmem>>, %arg13: memref<16xf32, #tpu.memory_space<vmem>>, %arg14: memref<528xf32, #tpu.memory_space<vmem>>, %arg15: memref<!tpu.dma_semaphore, #tpu.memory_space<semaphore_mem>>, %arg16: memref<!tpu.dma_semaphore, #tpu.memory_space<semaphore_mem>>, %arg17: memref<!tpu.dma_semaphore, #tpu.memory_space<semaphore_mem>>, %arg18: memref<!tpu.dma_semaphore, #tpu.memory_space<semaphore_mem>>, %arg19: memref<!tpu.dma_semaphore, #tpu.memory_space<semaphore_mem>>, %arg20: memref<!tpu.dma_semaphore, #tpu.memory_space<semaphore_mem>>, %arg21: memref<128x128xf32, #tpu.memory_space<vmem>>, %arg22: memref<128x128xf32, #tpu.memory_space<vmem>>, %arg23: memref<128x128xf32, #tpu.memory_space<vmem>>, %arg24: memref<128x128xf32, #tpu.memory_space<vmem>>, %arg25: memref<128x128xf32, #tpu.memory_space<vmem>>, %arg26: memref<128x128xf32, #tpu.memory_space<vmem>>) attributes {dimension_semantics = [#tpu.dimension_semantics<core_parallel>, #tpu.dimension_semantics<subcore_parallel>], iteration_bounds = array<i64: 2, 16>, scalar_prefetch = 0 : i64, scratch_operands = 18 : i64, tpu.core_type = #tpu.core_type<sc_vector_subcore>, window_params = [{transform_indices = #map}, {transform_indices = #map}, {transform_indices = #map}, {transform_indices = #map1}, {transform_indices = #map1}, {transform_indices = #map}, {transform_indices = #map}]} {
    %mul3A = arith.constant 2 : i32
    %mul3A_0 = arith.muli %arg1, %mul3A : i32
    %add3A = arith.addi %mul3A_0, %arg0 : i32
    %mul3A_1 = arith.constant 512 : i32
    %mul3A_2 = arith.muli %add3A, %mul3A_1 : i32
    %dma_start3A = tpu.memref_slice %arg2[%mul3A_2] : memref<16384xi32, #tpu.memory_space<hbm>> -> memref<512xi32, #tpu.memory_space<hbm>>
    %dma_start3A_3 = tpu.memref_slice %arg2[%mul3A_2] : memref<16384xi32, #tpu.memory_space<hbm>> -> memref<512xi32, #tpu.memory_space<hbm>>
    tpu.enqueue_dma source(%dma_start3A_3 : memref<512xi32, #tpu.memory_space<hbm>>) target(%arg9 : memref<512xi32, #tpu.memory_space<vmem>>) target_semaphore(%arg18 : memref<!tpu.dma_semaphore, #tpu.memory_space<semaphore_mem>>)
    %dma_start3A_4 = tpu.memref_slice %arg3[%mul3A_2] : memref<16384xi32, #tpu.memory_space<hbm>> -> memref<512xi32, #tpu.memory_space<hbm>>
    %dma_start3A_5 = tpu.memref_slice %arg3[%mul3A_2] : memref<16384xi32, #tpu.memory_space<hbm>> -> memref<512xi32, #tpu.memory_space<hbm>>
    tpu.enqueue_dma source(%dma_start3A_5 : memref<512xi32, #tpu.memory_space<hbm>>) target(%arg10 : memref<512xi32, #tpu.memory_space<vmem>>) target_semaphore(%arg18 : memref<!tpu.dma_semaphore, #tpu.memory_space<semaphore_mem>>)
    %broadcast_in_dim3A = arith.constant 0.000000e+00 : f32
    %broadcast_in_dim3A_6 = vector.broadcast %broadcast_in_dim3A : f32 to vector<16xf32>
    %swap3A = arith.constant 0 : index
    %swap3A_7 = tpu.vector_load %arg13[%swap3A] {strides = array<i32>} : memref<16xf32, #tpu.memory_space<vmem>>, vector<16xf32>,
    tpu.vector_store %arg13[%swap3A], %broadcast_in_dim3A_6 {strides = array<i32>} : memref<16xf32, #tpu.memory_space<vmem>>, vector<16xf32>,
    "tpu.region"() ({
      %run_scoped3A = tpu.sem_alloc : memref<!tpu.dma_semaphore, #tpu.memory_space<semaphore_mem>>
      tpu.enqueue_dma source(%arg4 : memref<1xi32, #tpu.memory_space<hbm>>) target(%arg11 : memref<1xi32, #tpu.memory_space<vmem>>) target_semaphore(%run_scoped3A : memref<!tpu.dma_semaphore, #tpu.memory_space<semaphore_mem>>)
      tpu.wait_dma2 semaphore(%run_scoped3A : memref<!tpu.dma_semaphore, #tpu.memory_space<semaphore_mem>>) src(%arg4 : memref<1xi32, #tpu.memory_space<hbm>>) dst(%arg11 : memref<1xi32, #tpu.memory_space<vmem>>)
      tpu.yield
    }) : () -> ()
    %dma_start3A_8 = arith.constant 0 : i32
    %dma_start3A_9 = arith.constant 0 : i32
    %dma_start3A_10 = tpu.memref_slice %arg6[%dma_start3A_8, %dma_start3A_9] : memref<237x128xf32, #tpu.memory_space<hbm>> -> memref<237x128xf32, #tpu.memory_space<hbm>>
    tpu.enqueue_indirect_dma source(%dma_start3A_10 : memref<237x128xf32, #tpu.memory_space<hbm>>) target(%arg12 : memref<1x128xf32, #tpu.memory_space<vmem>>) offsets(%arg11 : memref<1xi32, #tpu.memory_space<vmem>>) semaphore(%arg20 : memref<!tpu.dma_semaphore, #tpu.memory_space<semaphore_mem>>)
    %dma_start3A_11 = arith.constant 0 : i32
    %dma_start3A_12 = tpu.memref_slice %arg13[%dma_start3A_11] : memref<16xf32, #tpu.memory_space<vmem>> -> memref<1xf32, #tpu.memory_space<vmem>>
    %dma_start3A_13 = arith.constant 0 : i32
    %dma_start3A_14 = tpu.memref_slice %arg7[%dma_start3A_13] : memref<237xf32, #tpu.memory_space<hbm>> -> memref<237xf32, #tpu.memory_space<hbm>>
    tpu.enqueue_indirect_dma source(%dma_start3A_14 : memref<237xf32, #tpu.memory_space<hbm>>) target(%dma_start3A_12 : memref<1xf32, #tpu.memory_space<vmem>>) offsets(%arg11 : memref<1xi32, #tpu.memory_space<vmem>>) semaphore(%arg20 : memref<!tpu.dma_semaphore, #tpu.memory_space<semaphore_mem>>)
    %dma_wait3A = tpu.memref_slice %arg2[%mul3A_2] : memref<16384xi32, #tpu.memory_space<hbm>> -> memref<512xi32, #tpu.memory_space<hbm>>
    %dma_wait3A_15 = tpu.memref_slice %arg2[%mul3A_2] : memref<16384xi32, #tpu.memory_space<hbm>> -> memref<512xi32, #tpu.memory_space<hbm>>
    tpu.wait_dma2 semaphore(%arg18 : memref<!tpu.dma_semaphore, #tpu.memory_space<semaphore_mem>>) src(%dma_wait3A_15 : memref<512xi32, #tpu.memory_space<hbm>>) dst(%arg9 : memref<512xi32, #tpu.memory_space<vmem>>)
    %dma_wait3A_16 = tpu.memref_slice %arg3[%mul3A_2] : memref<16384xi32, #tpu.memory_space<hbm>> -> memref<512xi32, #tpu.memory_space<hbm>>
    %dma_wait3A_17 = tpu.memref_slice %arg3[%mul3A_2] : memref<16384xi32, #tpu.memory_space<hbm>> -> memref<512xi32, #tpu.memory_space<hbm>>
    tpu.wait_dma2 semaphore(%arg18 : memref<!tpu.dma_semaphore, #tpu.memory_space<semaphore_mem>>) src(%dma_wait3A_17 : memref<512xi32, #tpu.memory_space<hbm>>) dst(%arg10 : memref<512xi32, #tpu.memory_space<vmem>>)
    %iota3A = tpu.iota {dimensions = array<i32: 0>} : vector<16xi32>
    %eq3A = arith.constant 15 : i32
    %eq3A_18 = vector.broadcast %eq3A : i32 to vector<16xi32>
    %eq3A_19 = arith.cmpi eq, %iota3A, %eq3A_18 : vector<16xi32>
    %dma_start3A_20 = arith.constant 0 : i32
    %dma_start3A_21 = tpu.memref_slice %arg9[%dma_start3A_20] : memref<512xi32, #tpu.memory_space<vmem>> -> memref<128xi32, #tpu.memory_space<vmem>>
    %dma_start3A_22 = arith.constant 0 : i32
    %dma_start3A_23 = arith.constant 0 : i32
    %dma_start3A_24 = tpu.memref_slice %arg5[%dma_start3A_22, %dma_start3A_23] : memref<14541x128xf32, #tpu.memory_space<hbm>> -> memref<14541x128xf32, #tpu.memory_space<hbm>>
    tpu.enqueue_indirect_dma source(%dma_start3A_24 : memref<14541x128xf32, #tpu.memory_space<hbm>>) target(%arg21 : memref<128x128xf32, #tpu.memory_space<vmem>>) offsets(%dma_start3A_21 : memref<128xi32, #tpu.memory_space<vmem>>) semaphore(%arg15 : memref<!tpu.dma_semaphore, #tpu.memory_space<semaphore_mem>>)
    %dma_start3A_25 = arith.constant 0 : i32
    %dma_start3A_26 = tpu.memref_slice %arg10[%dma_start3A_25] : memref<512xi32, #tpu.memory_space<vmem>> -> memref<128xi32, #tpu.memory_space<vmem>>
    %dma_start3A_27 = arith.constant 0 : i32
    %dma_start3A_28 = arith.constant 0 : i32
    %dma_start3A_29 = tpu.memref_slice %arg5[%dma_start3A_27, %dma_start3A_28] : memref<14541x128xf32, #tpu.memory_space<hbm>> -> memref<14541x128xf32, #tpu.memory_space<hbm>>
    tpu.enqueue_indirect_dma source(%dma_start3A_29 : memref<14541x128xf32, #tpu.memory_space<hbm>>) target(%arg22 : memref<128x128xf32, #tpu.memory_space<vmem>>) offsets(%dma_start3A_26 : memref<128xi32, #tpu.memory_space<vmem>>) semaphore(%arg15 : memref<!tpu.dma_semaphore, #tpu.memory_space<semaphore_mem>>)
    %dma_start3A_30 = arith.constant 128 : i32
    %dma_start3A_31 = tpu.memref_slice %arg9[%dma_start3A_30] : memref<512xi32, #tpu.memory_space<vmem>> -> memref<128xi32, #tpu.memory_space<vmem>>
    %dma_start3A_32 = arith.constant 0 : i32
    %dma_start3A_33 = arith.constant 0 : i32
    %dma_start3A_34 = tpu.memref_slice %arg5[%dma_start3A_32, %dma_start3A_33] : memref<14541x128xf32, #tpu.memory_space<hbm>> -> memref<14541x128xf32, #tpu.memory_space<hbm>>
    tpu.enqueue_indirect_dma source(%dma_start3A_34 : memref<14541x128xf32, #tpu.memory_space<hbm>>) target(%arg23 : memref<128x128xf32, #tpu.memory_space<vmem>>) offsets(%dma_start3A_31 : memref<128xi32, #tpu.memory_space<vmem>>) semaphore(%arg16 : memref<!tpu.dma_semaphore, #tpu.memory_space<semaphore_mem>>)
    %dma_start3A_35 = arith.constant 128 : i32
    %dma_start3A_36 = tpu.memref_slice %arg10[%dma_start3A_35] : memref<512xi32, #tpu.memory_space<vmem>> -> memref<128xi32, #tpu.memory_space<vmem>>
    %dma_start3A_37 = arith.constant 0 : i32
    %dma_start3A_38 = arith.constant 0 : i32
    %dma_start3A_39 = tpu.memref_slice %arg5[%dma_start3A_37, %dma_start3A_38] : memref<14541x128xf32, #tpu.memory_space<hbm>> -> memref<14541x128xf32, #tpu.memory_space<hbm>>
    tpu.enqueue_indirect_dma source(%dma_start3A_39 : memref<14541x128xf32, #tpu.memory_space<hbm>>) target(%arg24 : memref<128x128xf32, #tpu.memory_space<vmem>>) offsets(%dma_start3A_36 : memref<128xi32, #tpu.memory_space<vmem>>) semaphore(%arg16 : memref<!tpu.dma_semaphore, #tpu.memory_space<semaphore_mem>>)
    %dma_wait3A_40 = arith.constant 0 : i32
    %dma_wait3A_41 = arith.constant 0 : i32
    %dma_wait3A_42 = tpu.memref_slice %arg6[%dma_wait3A_40, %dma_wait3A_41] : memref<237x128xf32, #tpu.memory_space<hbm>> -> memref<237x128xf32, #tpu.memory_space<hbm>>
    tpu.wait_indirect_dma semaphore(%arg20 : memref<!tpu.dma_semaphore, #tpu.memory_space<semaphore_mem>>) src(%dma_wait3A_42 : memref<237x128xf32, #tpu.memory_space<hbm>>) dst(%arg12 : memref<1x128xf32, #tpu.memory_space<vmem>>)
    %dma_wait3A_43 = arith.constant 0 : i32
    %dma_wait3A_44 = tpu.memref_slice %arg13[%dma_wait3A_43] : memref<16xf32, #tpu.memory_space<vmem>> -> memref<1xf32, #tpu.memory_space<vmem>>
    %dma_wait3A_45 = arith.constant 0 : i32
    %dma_wait3A_46 = tpu.memref_slice %arg7[%dma_wait3A_45] : memref<237xf32, #tpu.memory_space<hbm>> -> memref<237xf32, #tpu.memory_space<hbm>>
    tpu.wait_indirect_dma semaphore(%arg20 : memref<!tpu.dma_semaphore, #tpu.memory_space<semaphore_mem>>) src(%dma_wait3A_46 : memref<237xf32, #tpu.memory_space<hbm>>) dst(%dma_wait3A_44 : memref<1xf32, #tpu.memory_space<vmem>>)
    %get3A = arith.constant 0 : index
    %get3A_47 = tpu.vector_load %arg13[%get3A] {strides = array<i32>} : memref<16xf32, #tpu.memory_space<vmem>>, vector<16xf32>,
    %get3A_48 = arith.constant 0 : i32
    %get3A_49 = arith.index_cast %get3A_48 : i32 to index
    %get3A_50 = arith.constant 0 : index
    %get3A_51 = tpu.vector_load %arg12[%get3A_49, %get3A_50] {strides = array<i32>} : memref<1x128xf32, #tpu.memory_space<vmem>>, vector<16xf32>,
    %get3A_52 = arith.constant 0 : i32
    %get3A_53 = arith.index_cast %get3A_52 : i32 to index
    %get3A_54 = arith.constant 16 : index
    %get3A_55 = tpu.vector_load %arg12[%get3A_53, %get3A_54] {strides = array<i32>} : memref<1x128xf32, #tpu.memory_space<vmem>>, vector<16xf32>,
    %get3A_56 = arith.constant 0 : i32
    %get3A_57 = arith.index_cast %get3A_56 : i32 to index
    %get3A_58 = arith.constant 32 : index
    %get3A_59 = tpu.vector_load %arg12[%get3A_57, %get3A_58] {strides = array<i32>} : memref<1x128xf32, #tpu.memory_space<vmem>>, vector<16xf32>,
    %get3A_60 = arith.constant 0 : i32
    %get3A_61 = arith.index_cast %get3A_60 : i32 to index
    %get3A_62 = arith.constant 48 : index
    %get3A_63 = tpu.vector_load %arg12[%get3A_61, %get3A_62] {strides = array<i32>} : memref<1x128xf32, #tpu.memory_space<vmem>>, vector<16xf32>,
    %get3A_64 = arith.constant 0 : i32
    %get3A_65 = arith.index_cast %get3A_64 : i32 to index
    %get3A_66 = arith.constant 64 : index
    %get3A_67 = tpu.vector_load %arg12[%get3A_65, %get3A_66] {strides = array<i32>} : memref<1x128xf32, #tpu.memory_space<vmem>>, vector<16xf32>,
    %get3A_68 = arith.constant 0 : i32
    %get3A_69 = arith.index_cast %get3A_68 : i32 to index
    %get3A_70 = arith.constant 80 : index
    %get3A_71 = tpu.vector_load %arg12[%get3A_69, %get3A_70] {strides = array<i32>} : memref<1x128xf32, #tpu.memory_space<vmem>>, vector<16xf32>,
    %get3A_72 = arith.constant 0 : i32
    %get3A_73 = arith.index_cast %get3A_72 : i32 to index
    %get3A_74 = arith.constant 96 : index
    %get3A_75 = tpu.vector_load %arg12[%get3A_73, %get3A_74] {strides = array<i32>} : memref<1x128xf32, #tpu.memory_space<vmem>>, vector<16xf32>,
    %get3A_76 = arith.constant 0 : i32
    %get3A_77 = arith.index_cast %get3A_76 : i32 to index
    %get3A_78 = arith.constant 112 : index
    %get3A_79 = tpu.vector_load %arg12[%get3A_77, %get3A_78] {strides = array<i32>} : memref<1x128xf32, #tpu.memory_space<vmem>>, vector<16xf32>,
    %dma_start3A_80 = arith.constant 256 : i32
    %dma_start3A_81 = tpu.memref_slice %arg9[%dma_start3A_80] : memref<512xi32, #tpu.memory_space<vmem>> -> memref<128xi32, #tpu.memory_space<vmem>>
    %dma_start3A_82 = arith.constant 0 : i32
    %dma_start3A_83 = arith.constant 0 : i32
    %dma_start3A_84 = tpu.memref_slice %arg5[%dma_start3A_82, %dma_start3A_83] : memref<14541x128xf32, #tpu.memory_space<hbm>> -> memref<14541x128xf32, #tpu.memory_space<hbm>>
    tpu.enqueue_indirect_dma source(%dma_start3A_84 : memref<14541x128xf32, #tpu.memory_space<hbm>>) target(%arg25 : memref<128x128xf32, #tpu.memory_space<vmem>>) offsets(%dma_start3A_81 : memref<128xi32, #tpu.memory_space<vmem>>) semaphore(%arg17 : memref<!tpu.dma_semaphore, #tpu.memory_space<semaphore_mem>>)
    %dma_start3A_85 = arith.constant 256 : i32
    %dma_start3A_86 = tpu.memref_slice %arg10[%dma_start3A_85] : memref<512xi32, #tpu.memory_space<vmem>> -> memref<128xi32, #tpu.memory_space<vmem>>
    %dma_start3A_87 = arith.constant 0 : i32
    %dma_start3A_88 = arith.constant 0 : i32
    %dma_start3A_89 = tpu.memref_slice %arg5[%dma_start3A_87, %dma_start3A_88] : memref<14541x128xf32, #tpu.memory_space<hbm>> -> memref<14541x128xf32, #tpu.memory_space<hbm>>
    tpu.enqueue_indirect_dma source(%dma_start3A_89 : memref<14541x128xf32, #tpu.memory_space<hbm>>) target(%arg26 : memref<128x128xf32, #tpu.memory_space<vmem>>) offsets(%dma_start3A_86 : memref<128xi32, #tpu.memory_space<vmem>>) semaphore(%arg17 : memref<!tpu.dma_semaphore, #tpu.memory_space<semaphore_mem>>)
    %dma_wait3A_90 = arith.constant 0 : i32
    %dma_wait3A_91 = tpu.memref_slice %arg9[%dma_wait3A_90] : memref<512xi32, #tpu.memory_space<vmem>> -> memref<128xi32, #tpu.memory_space<vmem>>
    %dma_wait3A_92 = arith.constant 0 : i32
    %dma_wait3A_93 = arith.constant 0 : i32
    %dma_wait3A_94 = tpu.memref_slice %arg5[%dma_wait3A_92, %dma_wait3A_93] : memref<14541x128xf32, #tpu.memory_space<hbm>> -> memref<14541x128xf32, #tpu.memory_space<hbm>>
    tpu.wait_indirect_dma semaphore(%arg15 : memref<!tpu.dma_semaphore, #tpu.memory_space<semaphore_mem>>) src(%dma_wait3A_94 : memref<14541x128xf32, #tpu.memory_space<hbm>>) dst(%arg21 : memref<128x128xf32, #tpu.memory_space<vmem>>)
    %dma_wait3A_95 = arith.constant 0 : i32
    %dma_wait3A_96 = tpu.memref_slice %arg10[%dma_wait3A_95] : memref<512xi32, #tpu.memory_space<vmem>> -> memref<128xi32, #tpu.memory_space<vmem>>
    %dma_wait3A_97 = arith.constant 0 : i32
    %dma_wait3A_98 = arith.constant 0 : i32
    %dma_wait3A_99 = tpu.memref_slice %arg5[%dma_wait3A_97, %dma_wait3A_98] : memref<14541x128xf32, #tpu.memory_space<hbm>> -> memref<14541x128xf32, #tpu.memory_space<hbm>>
    tpu.wait_indirect_dma semaphore(%arg15 : memref<!tpu.dma_semaphore, #tpu.memory_space<semaphore_mem>>) src(%dma_wait3A_99 : memref<14541x128xf32, #tpu.memory_space<hbm>>) dst(%arg22 : memref<128x128xf32, #tpu.memory_space<vmem>>)
    %parallel_loop3A = arith.constant 0 : i32
    %parallel_loop3A_100 = arith.constant 128 : i32
    %parallel_loop3A_101 = arith.constant 1 : i32
    scf.for %parallel_loop3A_207 = %parallel_loop3A to %parallel_loop3A_100 step %parallel_loop3A_101  : i32 {
      %parallel_loop3A_208 = arith.index_cast %parallel_loop3A_207 : i32 to index
      %parallel_loop3A_209 = arith.constant 0 : index
      %parallel_loop3A_210 = tpu.vector_load %arg21[%parallel_loop3A_208, %parallel_loop3A_209] {strides = array<i32>} : memref<128x128xf32, #tpu.memory_space<vmem>>, vector<16xf32>,
      %parallel_loop3A_211 = arith.index_cast %parallel_loop3A_207 : i32 to index
      %parallel_loop3A_212 = arith.constant 0 : index
      %parallel_loop3A_213 = tpu.vector_load %arg22[%parallel_loop3A_211, %parallel_loop3A_212] {strides = array<i32>} : memref<128x128xf32, #tpu.memory_space<vmem>>, vector<16xf32>,
      %parallel_loop3A_214 = arith.mulf %parallel_loop3A_210, %parallel_loop3A_213 : vector<16xf32>
      %parallel_loop3A_215 = arith.mulf %parallel_loop3A_214, %get3A_51 : vector<16xf32>
      %parallel_loop3A_216 = arith.index_cast %parallel_loop3A_207 : i32 to index
      %parallel_loop3A_217 = arith.constant 16 : index
      %parallel_loop3A_218 = tpu.vector_load %arg21[%parallel_loop3A_216, %parallel_loop3A_217] {strides = array<i32>} : memref<128x128xf32, #tpu.memory_space<vmem>>, vector<16xf32>,
      %parallel_loop3A_219 = arith.index_cast %parallel_loop3A_207 : i32 to index
      %parallel_loop3A_220 = arith.constant 16 : index
      %parallel_loop3A_221 = tpu.vector_load %arg22[%parallel_loop3A_219, %parallel_loop3A_220] {strides = array<i32>} : memref<128x128xf32, #tpu.memory_space<vmem>>, vector<16xf32>,
      %parallel_loop3A_222 = arith.mulf %parallel_loop3A_218, %parallel_loop3A_221 : vector<16xf32>
      %parallel_loop3A_223 = arith.mulf %parallel_loop3A_222, %get3A_55 : vector<16xf32>
      %parallel_loop3A_224 = arith.index_cast %parallel_loop3A_207 : i32 to index
      %parallel_loop3A_225 = arith.constant 32 : index
      %parallel_loop3A_226 = tpu.vector_load %arg21[%parallel_loop3A_224, %parallel_loop3A_225] {strides = array<i32>} : memref<128x128xf32, #tpu.memory_space<vmem>>, vector<16xf32>,
      %parallel_loop3A_227 = arith.index_cast %parallel_loop3A_207 : i32 to index
      %parallel_loop3A_228 = arith.constant 32 : index
      %parallel_loop3A_229 = tpu.vector_load %arg22[%parallel_loop3A_227, %parallel_loop3A_228] {strides = array<i32>} : memref<128x128xf32, #tpu.memory_space<vmem>>, vector<16xf32>,
      %parallel_loop3A_230 = arith.mulf %parallel_loop3A_226, %parallel_loop3A_229 : vector<16xf32>
      %parallel_loop3A_231 = arith.mulf %parallel_loop3A_230, %get3A_59 : vector<16xf32>
      %parallel_loop3A_232 = arith.index_cast %parallel_loop3A_207 : i32 to index
      %parallel_loop3A_233 = arith.constant 48 : index
      %parallel_loop3A_234 = tpu.vector_load %arg21[%parallel_loop3A_232, %parallel_loop3A_233] {strides = array<i32>} : memref<128x128xf32, #tpu.memory_space<vmem>>, vector<16xf32>,
      %parallel_loop3A_235 = arith.index_cast %parallel_loop3A_207 : i32 to index
      %parallel_loop3A_236 = arith.constant 48 : index
      %parallel_loop3A_237 = tpu.vector_load %arg22[%parallel_loop3A_235, %parallel_loop3A_236] {strides = array<i32>} : memref<128x128xf32, #tpu.memory_space<vmem>>, vector<16xf32>,
      %parallel_loop3A_238 = arith.mulf %parallel_loop3A_234, %parallel_loop3A_237 : vector<16xf32>
      %parallel_loop3A_239 = arith.mulf %parallel_loop3A_238, %get3A_63 : vector<16xf32>
      %parallel_loop3A_240 = arith.index_cast %parallel_loop3A_207 : i32 to index
      %parallel_loop3A_241 = arith.constant 64 : index
      %parallel_loop3A_242 = tpu.vector_load %arg21[%parallel_loop3A_240, %parallel_loop3A_241] {strides = array<i32>} : memref<128x128xf32, #tpu.memory_space<vmem>>, vector<16xf32>,
      %parallel_loop3A_243 = arith.index_cast %parallel_loop3A_207 : i32 to index
      %parallel_loop3A_244 = arith.constant 64 : index
      %parallel_loop3A_245 = tpu.vector_load %arg22[%parallel_loop3A_243, %parallel_loop3A_244] {strides = array<i32>} : memref<128x128xf32, #tpu.memory_space<vmem>>, vector<16xf32>,
      %parallel_loop3A_246 = arith.mulf %parallel_loop3A_242, %parallel_loop3A_245 : vector<16xf32>
      %parallel_loop3A_247 = arith.mulf %parallel_loop3A_246, %get3A_67 : vector<16xf32>
      %parallel_loop3A_248 = arith.index_cast %parallel_loop3A_207 : i32 to index
      %parallel_loop3A_249 = arith.constant 80 : index
      %parallel_loop3A_250 = tpu.vector_load %arg21[%parallel_loop3A_248, %parallel_loop3A_249] {strides = array<i32>} : memref<128x128xf32, #tpu.memory_space<vmem>>, vector<16xf32>,
      %parallel_loop3A_251 = arith.index_cast %parallel_loop3A_207 : i32 to index
      %parallel_loop3A_252 = arith.constant 80 : index
      %parallel_loop3A_253 = tpu.vector_load %arg22[%parallel_loop3A_251, %parallel_loop3A_252] {strides = array<i32>} : memref<128x128xf32, #tpu.memory_space<vmem>>, vector<16xf32>,
      %parallel_loop3A_254 = arith.mulf %parallel_loop3A_250, %parallel_loop3A_253 : vector<16xf32>
      %parallel_loop3A_255 = arith.mulf %parallel_loop3A_254, %get3A_71 : vector<16xf32>
      %parallel_loop3A_256 = arith.index_cast %parallel_loop3A_207 : i32 to index
      %parallel_loop3A_257 = arith.constant 96 : index
      %parallel_loop3A_258 = tpu.vector_load %arg21[%parallel_loop3A_256, %parallel_loop3A_257] {strides = array<i32>} : memref<128x128xf32, #tpu.memory_space<vmem>>, vector<16xf32>,
      %parallel_loop3A_259 = arith.index_cast %parallel_loop3A_207 : i32 to index
      %parallel_loop3A_260 = arith.constant 96 : index
      %parallel_loop3A_261 = tpu.vector_load %arg22[%parallel_loop3A_259, %parallel_loop3A_260] {strides = array<i32>} : memref<128x128xf32, #tpu.memory_space<vmem>>, vector<16xf32>,
      %parallel_loop3A_262 = arith.mulf %parallel_loop3A_258, %parallel_loop3A_261 : vector<16xf32>
      %parallel_loop3A_263 = arith.mulf %parallel_loop3A_262, %get3A_75 : vector<16xf32>
      %parallel_loop3A_264 = arith.index_cast %parallel_loop3A_207 : i32 to index
      %parallel_loop3A_265 = arith.constant 112 : index
      %parallel_loop3A_266 = tpu.vector_load %arg21[%parallel_loop3A_264, %parallel_loop3A_265] {strides = array<i32>} : memref<128x128xf32, #tpu.memory_space<vmem>>, vector<16xf32>,
      %parallel_loop3A_267 = arith.index_cast %parallel_loop3A_207 : i32 to index
      %parallel_loop3A_268 = arith.constant 112 : index
      %parallel_loop3A_269 = tpu.vector_load %arg22[%parallel_loop3A_267, %parallel_loop3A_268] {strides = array<i32>} : memref<128x128xf32, #tpu.memory_space<vmem>>, vector<16xf32>,
      %parallel_loop3A_270 = arith.mulf %parallel_loop3A_266, %parallel_loop3A_269 : vector<16xf32>
      %parallel_loop3A_271 = arith.mulf %parallel_loop3A_270, %get3A_79 : vector<16xf32>
      %parallel_loop3A_272 = arith.addf %parallel_loop3A_215, %parallel_loop3A_223 : vector<16xf32>
      %parallel_loop3A_273 = arith.addf %parallel_loop3A_231, %parallel_loop3A_239 : vector<16xf32>
      %parallel_loop3A_274 = arith.addf %parallel_loop3A_247, %parallel_loop3A_255 : vector<16xf32>
      %parallel_loop3A_275 = arith.addf %parallel_loop3A_263, %parallel_loop3A_271 : vector<16xf32>
      %parallel_loop3A_276 = arith.addf %parallel_loop3A_272, %parallel_loop3A_273 : vector<16xf32>
      %parallel_loop3A_277 = arith.addf %parallel_loop3A_274, %parallel_loop3A_275 : vector<16xf32>
      %parallel_loop3A_278 = arith.addf %parallel_loop3A_276, %parallel_loop3A_277 : vector<16xf32>
      %parallel_loop3A_279 = arith.addf %parallel_loop3A_278, %get3A_47 : vector<16xf32>
      %parallel_loop3A_280 = arith.constant true
      %parallel_loop3A_281 = vector.broadcast %parallel_loop3A_280 : i1 to vector<16xi1>
      %parallel_loop3A_282 = tpu.scan <sum>, %parallel_loop3A_279 masked %parallel_loop3A_281 : vector<16xf32>, vector<16xi1> -> vector<16xf32>
      %parallel_loop3A_283 = arith.constant 0.000000e+00 : f32
      %parallel_loop3A_284 = vector.broadcast %parallel_loop3A_283 : f32 to vector<16xf32>
      %parallel_loop3A_285 = arith.subf %parallel_loop3A_284, %parallel_loop3A_282 : vector<16xf32>
      %parallel_loop3A_286 = math.exp %parallel_loop3A_285 : vector<16xf32>
      %parallel_loop3A_287 = arith.constant 1.000000e+00 : f32
      %parallel_loop3A_288 = vector.broadcast %parallel_loop3A_287 : f32 to vector<16xf32>
      %parallel_loop3A_289 = arith.addf %parallel_loop3A_288, %parallel_loop3A_286 : vector<16xf32>
      %parallel_loop3A_290 = arith.constant 1.000000e+00 : f32
      %parallel_loop3A_291 = vector.broadcast %parallel_loop3A_290 : f32 to vector<16xf32>
      %parallel_loop3A_292 = arith.divf %parallel_loop3A_291, %parallel_loop3A_289 : vector<16xf32>
      %parallel_loop3A_293 = arith.constant 0 : i32
      %parallel_loop3A_294 = arith.addi %parallel_loop3A_293, %parallel_loop3A_207 : i32
      %parallel_loop3A_295 = arith.index_cast %parallel_loop3A_294 : i32 to index
      %parallel_loop3A_296 = tpu.vector_load %arg14[%parallel_loop3A_295] masked %eq3A_19 {strides = array<i32>} : memref<528xf32, #tpu.memory_space<vmem>>, vector<16xf32>, vector<16xi1>
      tpu.vector_store %arg14[%parallel_loop3A_295], %parallel_loop3A_292 masked %eq3A_19 {strides = array<i32>} : memref<528xf32, #tpu.memory_space<vmem>>, vector<16xf32>, vector<16xi1>
    } {sc.loop_unroll_factor = 2 : i64, sc.parallel_access}
    %add3A_102 = arith.constant 0 : i32
    %add3A_103 = arith.addi %mul3A_2, %add3A_102 : i32
    %dma_start3A_104 = arith.constant 0 : i32
    %dma_start3A_105 = tpu.memref_slice %arg14[%dma_start3A_104] : memref<528xf32, #tpu.memory_space<vmem>> -> memref<128xf32, #tpu.memory_space<vmem>>
    %dma_start3A_106 = tpu.memref_slice %arg8[%add3A_103] : memref<16384xf32, #tpu.memory_space<hbm>> -> memref<128xf32, #tpu.memory_space<hbm>>
    %dma_start3A_107 = tpu.memref_slice %arg8[%add3A_103] : memref<16384xf32, #tpu.memory_space<hbm>> -> memref<128xf32, #tpu.memory_space<hbm>>
    %dma_start3A_108 = arith.constant 0 : i32
    %dma_start3A_109 = tpu.memref_slice %arg14[%dma_start3A_108] : memref<528xf32, #tpu.memory_space<vmem>> -> memref<128xf32, #tpu.memory_space<vmem>>
    tpu.enqueue_dma source(%dma_start3A_109 : memref<128xf32, #tpu.memory_space<vmem>>) target(%dma_start3A_107 : memref<128xf32, #tpu.memory_space<hbm>>) target_semaphore(%arg19 : memref<!tpu.dma_semaphore, #tpu.memory_space<semaphore_mem>>)
    %dma_start3A_110 = arith.constant 384 : i32
    %dma_start3A_111 = tpu.memref_slice %arg9[%dma_start3A_110] : memref<512xi32, #tpu.memory_space<vmem>> -> memref<128xi32, #tpu.memory_space<vmem>>
    %dma_start3A_112 = arith.constant 0 : i32
    %dma_start3A_113 = arith.constant 0 : i32
    %dma_start3A_114 = tpu.memref_slice %arg5[%dma_start3A_112, %dma_start3A_113] : memref<14541x128xf32, #tpu.memory_space<hbm>> -> memref<14541x128xf32, #tpu.memory_space<hbm>>
    tpu.enqueue_indirect_dma source(%dma_start3A_114 : memref<14541x128xf32, #tpu.memory_space<hbm>>) target(%arg21 : memref<128x128xf32, #tpu.memory_space<vmem>>) offsets(%dma_start3A_111 : memref<128xi32, #tpu.memory_space<vmem>>) semaphore(%arg15 : memref<!tpu.dma_semaphore, #tpu.memory_space<semaphore_mem>>)
    %dma_start3A_115 = arith.constant 384 : i32
    %dma_start3A_116 = tpu.memref_slice %arg10[%dma_start3A_115] : memref<512xi32, #tpu.memory_space<vmem>> -> memref<128xi32, #tpu.memory_space<vmem>>
    %dma_start3A_117 = arith.constant 0 : i32
    %dma_start3A_118 = arith.constant 0 : i32
    %dma_start3A_119 = tpu.memref_slice %arg5[%dma_start3A_117, %dma_start3A_118] : memref<14541x128xf32, #tpu.memory_space<hbm>> -> memref<14541x128xf32, #tpu.memory_space<hbm>>
    tpu.enqueue_indirect_dma source(%dma_start3A_119 : memref<14541x128xf32, #tpu.memory_space<hbm>>) target(%arg22 : memref<128x128xf32, #tpu.memory_space<vmem>>) offsets(%dma_start3A_116 : memref<128xi32, #tpu.memory_space<vmem>>) semaphore(%arg15 : memref<!tpu.dma_semaphore, #tpu.memory_space<semaphore_mem>>)
    %dma_wait3A_120 = arith.constant 128 : i32
    %dma_wait3A_121 = tpu.memref_slice %arg9[%dma_wait3A_120] : memref<512xi32, #tpu.memory_space<vmem>> -> memref<128xi32, #tpu.memory_space<vmem>>
    %dma_wait3A_122 = arith.constant 0 : i32
    %dma_wait3A_123 = arith.constant 0 : i32
    %dma_wait3A_124 = tpu.memref_slice %arg5[%dma_wait3A_122, %dma_wait3A_123] : memref<14541x128xf32, #tpu.memory_space<hbm>> -> memref<14541x128xf32, #tpu.memory_space<hbm>>
    tpu.wait_indirect_dma semaphore(%arg16 : memref<!tpu.dma_semaphore, #tpu.memory_space<semaphore_mem>>) src(%dma_wait3A_124 : memref<14541x128xf32, #tpu.memory_space<hbm>>) dst(%arg23 : memref<128x128xf32, #tpu.memory_space<vmem>>)
    %dma_wait3A_125 = arith.constant 128 : i32
    %dma_wait3A_126 = tpu.memref_slice %arg10[%dma_wait3A_125] : memref<512xi32, #tpu.memory_space<vmem>> -> memref<128xi32, #tpu.memory_space<vmem>>
    %dma_wait3A_127 = arith.constant 0 : i32
    %dma_wait3A_128 = arith.constant 0 : i32
    %dma_wait3A_129 = tpu.memref_slice %arg5[%dma_wait3A_127, %dma_wait3A_128] : memref<14541x128xf32, #tpu.memory_space<hbm>> -> memref<14541x128xf32, #tpu.memory_space<hbm>>
    tpu.wait_indirect_dma semaphore(%arg16 : memref<!tpu.dma_semaphore, #tpu.memory_space<semaphore_mem>>) src(%dma_wait3A_129 : memref<14541x128xf32, #tpu.memory_space<hbm>>) dst(%arg24 : memref<128x128xf32, #tpu.memory_space<vmem>>)
    %parallel_loop3A_130 = arith.constant 0 : i32
    %parallel_loop3A_131 = arith.constant 128 : i32
    %parallel_loop3A_132 = arith.constant 1 : i32
    scf.for %parallel_loop3A_207 = %parallel_loop3A_130 to %parallel_loop3A_131 step %parallel_loop3A_132  : i32 {
      %parallel_loop3A_208 = arith.index_cast %parallel_loop3A_207 : i32 to index
      %parallel_loop3A_209 = arith.constant 0 : index
      %parallel_loop3A_210 = tpu.vector_load %arg23[%parallel_loop3A_208, %parallel_loop3A_209] {strides = array<i32>} : memref<128x128xf32, #tpu.memory_space<vmem>>, vector<16xf32>,
      %parallel_loop3A_211 = arith.index_cast %parallel_loop3A_207 : i32 to index
      %parallel_loop3A_212 = arith.constant 0 : index
      %parallel_loop3A_213 = tpu.vector_load %arg24[%parallel_loop3A_211, %parallel_loop3A_212] {strides = array<i32>} : memref<128x128xf32, #tpu.memory_space<vmem>>, vector<16xf32>,
      %parallel_loop3A_214 = arith.mulf %parallel_loop3A_210, %parallel_loop3A_213 : vector<16xf32>
      %parallel_loop3A_215 = arith.mulf %parallel_loop3A_214, %get3A_51 : vector<16xf32>
      %parallel_loop3A_216 = arith.index_cast %parallel_loop3A_207 : i32 to index
      %parallel_loop3A_217 = arith.constant 16 : index
      %parallel_loop3A_218 = tpu.vector_load %arg23[%parallel_loop3A_216, %parallel_loop3A_217] {strides = array<i32>} : memref<128x128xf32, #tpu.memory_space<vmem>>, vector<16xf32>,
      %parallel_loop3A_219 = arith.index_cast %parallel_loop3A_207 : i32 to index
      %parallel_loop3A_220 = arith.constant 16 : index
      %parallel_loop3A_221 = tpu.vector_load %arg24[%parallel_loop3A_219, %parallel_loop3A_220] {strides = array<i32>} : memref<128x128xf32, #tpu.memory_space<vmem>>, vector<16xf32>,
      %parallel_loop3A_222 = arith.mulf %parallel_loop3A_218, %parallel_loop3A_221 : vector<16xf32>
      %parallel_loop3A_223 = arith.mulf %parallel_loop3A_222, %get3A_55 : vector<16xf32>
      %parallel_loop3A_224 = arith.index_cast %parallel_loop3A_207 : i32 to index
      %parallel_loop3A_225 = arith.constant 32 : index
      %parallel_loop3A_226 = tpu.vector_load %arg23[%parallel_loop3A_224, %parallel_loop3A_225] {strides = array<i32>} : memref<128x128xf32, #tpu.memory_space<vmem>>, vector<16xf32>,
      %parallel_loop3A_227 = arith.index_cast %parallel_loop3A_207 : i32 to index
      %parallel_loop3A_228 = arith.constant 32 : index
      %parallel_loop3A_229 = tpu.vector_load %arg24[%parallel_loop3A_227, %parallel_loop3A_228] {strides = array<i32>} : memref<128x128xf32, #tpu.memory_space<vmem>>, vector<16xf32>,
      %parallel_loop3A_230 = arith.mulf %parallel_loop3A_226, %parallel_loop3A_229 : vector<16xf32>
      %parallel_loop3A_231 = arith.mulf %parallel_loop3A_230, %get3A_59 : vector<16xf32>
      %parallel_loop3A_232 = arith.index_cast %parallel_loop3A_207 : i32 to index
      %parallel_loop3A_233 = arith.constant 48 : index
      %parallel_loop3A_234 = tpu.vector_load %arg23[%parallel_loop3A_232, %parallel_loop3A_233] {strides = array<i32>} : memref<128x128xf32, #tpu.memory_space<vmem>>, vector<16xf32>,
      %parallel_loop3A_235 = arith.index_cast %parallel_loop3A_207 : i32 to index
      %parallel_loop3A_236 = arith.constant 48 : index
      %parallel_loop3A_237 = tpu.vector_load %arg24[%parallel_loop3A_235, %parallel_loop3A_236] {strides = array<i32>} : memref<128x128xf32, #tpu.memory_space<vmem>>, vector<16xf32>,
      %parallel_loop3A_238 = arith.mulf %parallel_loop3A_234, %parallel_loop3A_237 : vector<16xf32>
      %parallel_loop3A_239 = arith.mulf %parallel_loop3A_238, %get3A_63 : vector<16xf32>
      %parallel_loop3A_240 = arith.index_cast %parallel_loop3A_207 : i32 to index
      %parallel_loop3A_241 = arith.constant 64 : index
      %parallel_loop3A_242 = tpu.vector_load %arg23[%parallel_loop3A_240, %parallel_loop3A_241] {strides = array<i32>} : memref<128x128xf32, #tpu.memory_space<vmem>>, vector<16xf32>,
      %parallel_loop3A_243 = arith.index_cast %parallel_loop3A_207 : i32 to index
      %parallel_loop3A_244 = arith.constant 64 : index
      %parallel_loop3A_245 = tpu.vector_load %arg24[%parallel_loop3A_243, %parallel_loop3A_244] {strides = array<i32>} : memref<128x128xf32, #tpu.memory_space<vmem>>, vector<16xf32>,
      %parallel_loop3A_246 = arith.mulf %parallel_loop3A_242, %parallel_loop3A_245 : vector<16xf32>
      %parallel_loop3A_247 = arith.mulf %parallel_loop3A_246, %get3A_67 : vector<16xf32>
      %parallel_loop3A_248 = arith.index_cast %parallel_loop3A_207 : i32 to index
      %parallel_loop3A_249 = arith.constant 80 : index
      %parallel_loop3A_250 = tpu.vector_load %arg23[%parallel_loop3A_248, %parallel_loop3A_249] {strides = array<i32>} : memref<128x128xf32, #tpu.memory_space<vmem>>, vector<16xf32>,
      %parallel_loop3A_251 = arith.index_cast %parallel_loop3A_207 : i32 to index
      %parallel_loop3A_252 = arith.constant 80 : index
      %parallel_loop3A_253 = tpu.vector_load %arg24[%parallel_loop3A_251, %parallel_loop3A_252] {strides = array<i32>} : memref<128x128xf32, #tpu.memory_space<vmem>>, vector<16xf32>,
      %parallel_loop3A_254 = arith.mulf %parallel_loop3A_250, %parallel_loop3A_253 : vector<16xf32>
      %parallel_loop3A_255 = arith.mulf %parallel_loop3A_254, %get3A_71 : vector<16xf32>
      %parallel_loop3A_256 = arith.index_cast %parallel_loop3A_207 : i32 to index
      %parallel_loop3A_257 = arith.constant 96 : index
      %parallel_loop3A_258 = tpu.vector_load %arg23[%parallel_loop3A_256, %parallel_loop3A_257] {strides = array<i32>} : memref<128x128xf32, #tpu.memory_space<vmem>>, vector<16xf32>,
      %parallel_loop3A_259 = arith.index_cast %parallel_loop3A_207 : i32 to index
      %parallel_loop3A_260 = arith.constant 96 : index
      %parallel_loop3A_261 = tpu.vector_load %arg24[%parallel_loop3A_259, %parallel_loop3A_260] {strides = array<i32>} : memref<128x128xf32, #tpu.memory_space<vmem>>, vector<16xf32>,
      %parallel_loop3A_262 = arith.mulf %parallel_loop3A_258, %parallel_loop3A_261 : vector<16xf32>
      %parallel_loop3A_263 = arith.mulf %parallel_loop3A_262, %get3A_75 : vector<16xf32>
      %parallel_loop3A_264 = arith.index_cast %parallel_loop3A_207 : i32 to index
      %parallel_loop3A_265 = arith.constant 112 : index
      %parallel_loop3A_266 = tpu.vector_load %arg23[%parallel_loop3A_264, %parallel_loop3A_265] {strides = array<i32>} : memref<128x128xf32, #tpu.memory_space<vmem>>, vector<16xf32>,
      %parallel_loop3A_267 = arith.index_cast %parallel_loop3A_207 : i32 to index
      %parallel_loop3A_268 = arith.constant 112 : index
      %parallel_loop3A_269 = tpu.vector_load %arg24[%parallel_loop3A_267, %parallel_loop3A_268] {strides = array<i32>} : memref<128x128xf32, #tpu.memory_space<vmem>>, vector<16xf32>,
      %parallel_loop3A_270 = arith.mulf %parallel_loop3A_266, %parallel_loop3A_269 : vector<16xf32>
      %parallel_loop3A_271 = arith.mulf %parallel_loop3A_270, %get3A_79 : vector<16xf32>
      %parallel_loop3A_272 = arith.addf %parallel_loop3A_215, %parallel_loop3A_223 : vector<16xf32>
      %parallel_loop3A_273 = arith.addf %parallel_loop3A_231, %parallel_loop3A_239 : vector<16xf32>
      %parallel_loop3A_274 = arith.addf %parallel_loop3A_247, %parallel_loop3A_255 : vector<16xf32>
      %parallel_loop3A_275 = arith.addf %parallel_loop3A_263, %parallel_loop3A_271 : vector<16xf32>
      %parallel_loop3A_276 = arith.addf %parallel_loop3A_272, %parallel_loop3A_273 : vector<16xf32>
      %parallel_loop3A_277 = arith.addf %parallel_loop3A_274, %parallel_loop3A_275 : vector<16xf32>
      %parallel_loop3A_278 = arith.addf %parallel_loop3A_276, %parallel_loop3A_277 : vector<16xf32>
      %parallel_loop3A_279 = arith.addf %parallel_loop3A_278, %get3A_47 : vector<16xf32>
      %parallel_loop3A_280 = arith.constant true
      %parallel_loop3A_281 = vector.broadcast %parallel_loop3A_280 : i1 to vector<16xi1>
      %parallel_loop3A_282 = tpu.scan <sum>, %parallel_loop3A_279 masked %parallel_loop3A_281 : vector<16xf32>, vector<16xi1> -> vector<16xf32>
      %parallel_loop3A_283 = arith.constant 0.000000e+00 : f32
      %parallel_loop3A_284 = vector.broadcast %parallel_loop3A_283 : f32 to vector<16xf32>
      %parallel_loop3A_285 = arith.subf %parallel_loop3A_284, %parallel_loop3A_282 : vector<16xf32>
      %parallel_loop3A_286 = math.exp %parallel_loop3A_285 : vector<16xf32>
      %parallel_loop3A_287 = arith.constant 1.000000e+00 : f32
      %parallel_loop3A_288 = vector.broadcast %parallel_loop3A_287 : f32 to vector<16xf32>
      %parallel_loop3A_289 = arith.addf %parallel_loop3A_288, %parallel_loop3A_286 : vector<16xf32>
      %parallel_loop3A_290 = arith.constant 1.000000e+00 : f32
      %parallel_loop3A_291 = vector.broadcast %parallel_loop3A_290 : f32 to vector<16xf32>
      %parallel_loop3A_292 = arith.divf %parallel_loop3A_291, %parallel_loop3A_289 : vector<16xf32>
      %parallel_loop3A_293 = arith.constant 128 : i32
      %parallel_loop3A_294 = arith.addi %parallel_loop3A_293, %parallel_loop3A_207 : i32
      %parallel_loop3A_295 = arith.index_cast %parallel_loop3A_294 : i32 to index
      %parallel_loop3A_296 = tpu.vector_load %arg14[%parallel_loop3A_295] masked %eq3A_19 {strides = array<i32>} : memref<528xf32, #tpu.memory_space<vmem>>, vector<16xf32>, vector<16xi1>
      tpu.vector_store %arg14[%parallel_loop3A_295], %parallel_loop3A_292 masked %eq3A_19 {strides = array<i32>} : memref<528xf32, #tpu.memory_space<vmem>>, vector<16xf32>, vector<16xi1>
    } {sc.loop_unroll_factor = 2 : i64, sc.parallel_access}
    %add3A_133 = arith.constant 128 : i32
    %add3A_134 = arith.addi %mul3A_2, %add3A_133 : i32
    %dma_start3A_135 = arith.constant 128 : i32
    %dma_start3A_136 = tpu.memref_slice %arg14[%dma_start3A_135] : memref<528xf32, #tpu.memory_space<vmem>> -> memref<128xf32, #tpu.memory_space<vmem>>
    %dma_start3A_137 = tpu.memref_slice %arg8[%add3A_134] : memref<16384xf32, #tpu.memory_space<hbm>> -> memref<128xf32, #tpu.memory_space<hbm>>
    %dma_start3A_138 = tpu.memref_slice %arg8[%add3A_134] : memref<16384xf32, #tpu.memory_space<hbm>> -> memref<128xf32, #tpu.memory_space<hbm>>
    %dma_start3A_139 = arith.constant 128 : i32
    %dma_start3A_140 = tpu.memref_slice %arg14[%dma_start3A_139] : memref<528xf32, #tpu.memory_space<vmem>> -> memref<128xf32, #tpu.memory_space<vmem>>
    tpu.enqueue_dma source(%dma_start3A_140 : memref<128xf32, #tpu.memory_space<vmem>>) target(%dma_start3A_138 : memref<128xf32, #tpu.memory_space<hbm>>) target_semaphore(%arg19 : memref<!tpu.dma_semaphore, #tpu.memory_space<semaphore_mem>>)
    %dma_wait3A_141 = arith.constant 256 : i32
    %dma_wait3A_142 = tpu.memref_slice %arg9[%dma_wait3A_141] : memref<512xi32, #tpu.memory_space<vmem>> -> memref<128xi32, #tpu.memory_space<vmem>>
    %dma_wait3A_143 = arith.constant 0 : i32
    %dma_wait3A_144 = arith.constant 0 : i32
    %dma_wait3A_145 = tpu.memref_slice %arg5[%dma_wait3A_143, %dma_wait3A_144] : memref<14541x128xf32, #tpu.memory_space<hbm>> -> memref<14541x128xf32, #tpu.memory_space<hbm>>
    tpu.wait_indirect_dma semaphore(%arg17 : memref<!tpu.dma_semaphore, #tpu.memory_space<semaphore_mem>>) src(%dma_wait3A_145 : memref<14541x128xf32, #tpu.memory_space<hbm>>) dst(%arg25 : memref<128x128xf32, #tpu.memory_space<vmem>>)
    %dma_wait3A_146 = arith.constant 256 : i32
    %dma_wait3A_147 = tpu.memref_slice %arg10[%dma_wait3A_146] : memref<512xi32, #tpu.memory_space<vmem>> -> memref<128xi32, #tpu.memory_space<vmem>>
    %dma_wait3A_148 = arith.constant 0 : i32
    %dma_wait3A_149 = arith.constant 0 : i32
    %dma_wait3A_150 = tpu.memref_slice %arg5[%dma_wait3A_148, %dma_wait3A_149] : memref<14541x128xf32, #tpu.memory_space<hbm>> -> memref<14541x128xf32, #tpu.memory_space<hbm>>
    tpu.wait_indirect_dma semaphore(%arg17 : memref<!tpu.dma_semaphore, #tpu.memory_space<semaphore_mem>>) src(%dma_wait3A_150 : memref<14541x128xf32, #tpu.memory_space<hbm>>) dst(%arg26 : memref<128x128xf32, #tpu.memory_space<vmem>>)
    %parallel_loop3A_151 = arith.constant 0 : i32
    %parallel_loop3A_152 = arith.constant 128 : i32
    %parallel_loop3A_153 = arith.constant 1 : i32
    scf.for %parallel_loop3A_207 = %parallel_loop3A_151 to %parallel_loop3A_152 step %parallel_loop3A_153  : i32 {
      %parallel_loop3A_208 = arith.index_cast %parallel_loop3A_207 : i32 to index
      %parallel_loop3A_209 = arith.constant 0 : index
      %parallel_loop3A_210 = tpu.vector_load %arg25[%parallel_loop3A_208, %parallel_loop3A_209] {strides = array<i32>} : memref<128x128xf32, #tpu.memory_space<vmem>>, vector<16xf32>,
      %parallel_loop3A_211 = arith.index_cast %parallel_loop3A_207 : i32 to index
      %parallel_loop3A_212 = arith.constant 0 : index
      %parallel_loop3A_213 = tpu.vector_load %arg26[%parallel_loop3A_211, %parallel_loop3A_212] {strides = array<i32>} : memref<128x128xf32, #tpu.memory_space<vmem>>, vector<16xf32>,
      %parallel_loop3A_214 = arith.mulf %parallel_loop3A_210, %parallel_loop3A_213 : vector<16xf32>
      %parallel_loop3A_215 = arith.mulf %parallel_loop3A_214, %get3A_51 : vector<16xf32>
      %parallel_loop3A_216 = arith.index_cast %parallel_loop3A_207 : i32 to index
      %parallel_loop3A_217 = arith.constant 16 : index
      %parallel_loop3A_218 = tpu.vector_load %arg25[%parallel_loop3A_216, %parallel_loop3A_217] {strides = array<i32>} : memref<128x128xf32, #tpu.memory_space<vmem>>, vector<16xf32>,
      %parallel_loop3A_219 = arith.index_cast %parallel_loop3A_207 : i32 to index
      %parallel_loop3A_220 = arith.constant 16 : index
      %parallel_loop3A_221 = tpu.vector_load %arg26[%parallel_loop3A_219, %parallel_loop3A_220] {strides = array<i32>} : memref<128x128xf32, #tpu.memory_space<vmem>>, vector<16xf32>,
      %parallel_loop3A_222 = arith.mulf %parallel_loop3A_218, %parallel_loop3A_221 : vector<16xf32>
      %parallel_loop3A_223 = arith.mulf %parallel_loop3A_222, %get3A_55 : vector<16xf32>
      %parallel_loop3A_224 = arith.index_cast %parallel_loop3A_207 : i32 to index
      %parallel_loop3A_225 = arith.constant 32 : index
      %parallel_loop3A_226 = tpu.vector_load %arg25[%parallel_loop3A_224, %parallel_loop3A_225] {strides = array<i32>} : memref<128x128xf32, #tpu.memory_space<vmem>>, vector<16xf32>,
      %parallel_loop3A_227 = arith.index_cast %parallel_loop3A_207 : i32 to index
      %parallel_loop3A_228 = arith.constant 32 : index
      %parallel_loop3A_229 = tpu.vector_load %arg26[%parallel_loop3A_227, %parallel_loop3A_228] {strides = array<i32>} : memref<128x128xf32, #tpu.memory_space<vmem>>, vector<16xf32>,
      %parallel_loop3A_230 = arith.mulf %parallel_loop3A_226, %parallel_loop3A_229 : vector<16xf32>
      %parallel_loop3A_231 = arith.mulf %parallel_loop3A_230, %get3A_59 : vector<16xf32>
      %parallel_loop3A_232 = arith.index_cast %parallel_loop3A_207 : i32 to index
      %parallel_loop3A_233 = arith.constant 48 : index
      %parallel_loop3A_234 = tpu.vector_load %arg25[%parallel_loop3A_232, %parallel_loop3A_233] {strides = array<i32>} : memref<128x128xf32, #tpu.memory_space<vmem>>, vector<16xf32>,
      %parallel_loop3A_235 = arith.index_cast %parallel_loop3A_207 : i32 to index
      %parallel_loop3A_236 = arith.constant 48 : index
      %parallel_loop3A_237 = tpu.vector_load %arg26[%parallel_loop3A_235, %parallel_loop3A_236] {strides = array<i32>} : memref<128x128xf32, #tpu.memory_space<vmem>>, vector<16xf32>,
      %parallel_loop3A_238 = arith.mulf %parallel_loop3A_234, %parallel_loop3A_237 : vector<16xf32>
      %parallel_loop3A_239 = arith.mulf %parallel_loop3A_238, %get3A_63 : vector<16xf32>
      %parallel_loop3A_240 = arith.index_cast %parallel_loop3A_207 : i32 to index
      %parallel_loop3A_241 = arith.constant 64 : index
      %parallel_loop3A_242 = tpu.vector_load %arg25[%parallel_loop3A_240, %parallel_loop3A_241] {strides = array<i32>} : memref<128x128xf32, #tpu.memory_space<vmem>>, vector<16xf32>,
      %parallel_loop3A_243 = arith.index_cast %parallel_loop3A_207 : i32 to index
      %parallel_loop3A_244 = arith.constant 64 : index
      %parallel_loop3A_245 = tpu.vector_load %arg26[%parallel_loop3A_243, %parallel_loop3A_244] {strides = array<i32>} : memref<128x128xf32, #tpu.memory_space<vmem>>, vector<16xf32>,
      %parallel_loop3A_246 = arith.mulf %parallel_loop3A_242, %parallel_loop3A_245 : vector<16xf32>
      %parallel_loop3A_247 = arith.mulf %parallel_loop3A_246, %get3A_67 : vector<16xf32>
      %parallel_loop3A_248 = arith.index_cast %parallel_loop3A_207 : i32 to index
      %parallel_loop3A_249 = arith.constant 80 : index
      %parallel_loop3A_250 = tpu.vector_load %arg25[%parallel_loop3A_248, %parallel_loop3A_249] {strides = array<i32>} : memref<128x128xf32, #tpu.memory_space<vmem>>, vector<16xf32>,
      %parallel_loop3A_251 = arith.index_cast %parallel_loop3A_207 : i32 to index
      %parallel_loop3A_252 = arith.constant 80 : index
      %parallel_loop3A_253 = tpu.vector_load %arg26[%parallel_loop3A_251, %parallel_loop3A_252] {strides = array<i32>} : memref<128x128xf32, #tpu.memory_space<vmem>>, vector<16xf32>,
      %parallel_loop3A_254 = arith.mulf %parallel_loop3A_250, %parallel_loop3A_253 : vector<16xf32>
      %parallel_loop3A_255 = arith.mulf %parallel_loop3A_254, %get3A_71 : vector<16xf32>
      %parallel_loop3A_256 = arith.index_cast %parallel_loop3A_207 : i32 to index
      %parallel_loop3A_257 = arith.constant 96 : index
      %parallel_loop3A_258 = tpu.vector_load %arg25[%parallel_loop3A_256, %parallel_loop3A_257] {strides = array<i32>} : memref<128x128xf32, #tpu.memory_space<vmem>>, vector<16xf32>,
      %parallel_loop3A_259 = arith.index_cast %parallel_loop3A_207 : i32 to index
      %parallel_loop3A_260 = arith.constant 96 : index
      %parallel_loop3A_261 = tpu.vector_load %arg26[%parallel_loop3A_259, %parallel_loop3A_260] {strides = array<i32>} : memref<128x128xf32, #tpu.memory_space<vmem>>, vector<16xf32>,
      %parallel_loop3A_262 = arith.mulf %parallel_loop3A_258, %parallel_loop3A_261 : vector<16xf32>
      %parallel_loop3A_263 = arith.mulf %parallel_loop3A_262, %get3A_75 : vector<16xf32>
      %parallel_loop3A_264 = arith.index_cast %parallel_loop3A_207 : i32 to index
      %parallel_loop3A_265 = arith.constant 112 : index
      %parallel_loop3A_266 = tpu.vector_load %arg25[%parallel_loop3A_264, %parallel_loop3A_265] {strides = array<i32>} : memref<128x128xf32, #tpu.memory_space<vmem>>, vector<16xf32>,
      %parallel_loop3A_267 = arith.index_cast %parallel_loop3A_207 : i32 to index
      %parallel_loop3A_268 = arith.constant 112 : index
      %parallel_loop3A_269 = tpu.vector_load %arg26[%parallel_loop3A_267, %parallel_loop3A_268] {strides = array<i32>} : memref<128x128xf32, #tpu.memory_space<vmem>>, vector<16xf32>,
      %parallel_loop3A_270 = arith.mulf %parallel_loop3A_266, %parallel_loop3A_269 : vector<16xf32>
      %parallel_loop3A_271 = arith.mulf %parallel_loop3A_270, %get3A_79 : vector<16xf32>
      %parallel_loop3A_272 = arith.addf %parallel_loop3A_215, %parallel_loop3A_223 : vector<16xf32>
      %parallel_loop3A_273 = arith.addf %parallel_loop3A_231, %parallel_loop3A_239 : vector<16xf32>
      %parallel_loop3A_274 = arith.addf %parallel_loop3A_247, %parallel_loop3A_255 : vector<16xf32>
      %parallel_loop3A_275 = arith.addf %parallel_loop3A_263, %parallel_loop3A_271 : vector<16xf32>
      %parallel_loop3A_276 = arith.addf %parallel_loop3A_272, %parallel_loop3A_273 : vector<16xf32>
      %parallel_loop3A_277 = arith.addf %parallel_loop3A_274, %parallel_loop3A_275 : vector<16xf32>
      %parallel_loop3A_278 = arith.addf %parallel_loop3A_276, %parallel_loop3A_277 : vector<16xf32>
      %parallel_loop3A_279 = arith.addf %parallel_loop3A_278, %get3A_47 : vector<16xf32>
      %parallel_loop3A_280 = arith.constant true
      %parallel_loop3A_281 = vector.broadcast %parallel_loop3A_280 : i1 to vector<16xi1>
      %parallel_loop3A_282 = tpu.scan <sum>, %parallel_loop3A_279 masked %parallel_loop3A_281 : vector<16xf32>, vector<16xi1> -> vector<16xf32>
      %parallel_loop3A_283 = arith.constant 0.000000e+00 : f32
      %parallel_loop3A_284 = vector.broadcast %parallel_loop3A_283 : f32 to vector<16xf32>
      %parallel_loop3A_285 = arith.subf %parallel_loop3A_284, %parallel_loop3A_282 : vector<16xf32>
      %parallel_loop3A_286 = math.exp %parallel_loop3A_285 : vector<16xf32>
      %parallel_loop3A_287 = arith.constant 1.000000e+00 : f32
      %parallel_loop3A_288 = vector.broadcast %parallel_loop3A_287 : f32 to vector<16xf32>
      %parallel_loop3A_289 = arith.addf %parallel_loop3A_288, %parallel_loop3A_286 : vector<16xf32>
      %parallel_loop3A_290 = arith.constant 1.000000e+00 : f32
      %parallel_loop3A_291 = vector.broadcast %parallel_loop3A_290 : f32 to vector<16xf32>
      %parallel_loop3A_292 = arith.divf %parallel_loop3A_291, %parallel_loop3A_289 : vector<16xf32>
      %parallel_loop3A_293 = arith.constant 256 : i32
      %parallel_loop3A_294 = arith.addi %parallel_loop3A_293, %parallel_loop3A_207 : i32
      %parallel_loop3A_295 = arith.index_cast %parallel_loop3A_294 : i32 to index
      %parallel_loop3A_296 = tpu.vector_load %arg14[%parallel_loop3A_295] masked %eq3A_19 {strides = array<i32>} : memref<528xf32, #tpu.memory_space<vmem>>, vector<16xf32>, vector<16xi1>
      tpu.vector_store %arg14[%parallel_loop3A_295], %parallel_loop3A_292 masked %eq3A_19 {strides = array<i32>} : memref<528xf32, #tpu.memory_space<vmem>>, vector<16xf32>, vector<16xi1>
    } {sc.loop_unroll_factor = 2 : i64, sc.parallel_access}
    %add3A_154 = arith.constant 256 : i32
    %add3A_155 = arith.addi %mul3A_2, %add3A_154 : i32
    %dma_start3A_156 = arith.constant 256 : i32
    %dma_start3A_157 = tpu.memref_slice %arg14[%dma_start3A_156] : memref<528xf32, #tpu.memory_space<vmem>> -> memref<128xf32, #tpu.memory_space<vmem>>
    %dma_start3A_158 = tpu.memref_slice %arg8[%add3A_155] : memref<16384xf32, #tpu.memory_space<hbm>> -> memref<128xf32, #tpu.memory_space<hbm>>
    %dma_start3A_159 = tpu.memref_slice %arg8[%add3A_155] : memref<16384xf32, #tpu.memory_space<hbm>> -> memref<128xf32, #tpu.memory_space<hbm>>
    %dma_start3A_160 = arith.constant 256 : i32
    %dma_start3A_161 = tpu.memref_slice %arg14[%dma_start3A_160] : memref<528xf32, #tpu.memory_space<vmem>> -> memref<128xf32, #tpu.memory_space<vmem>>
    tpu.enqueue_dma source(%dma_start3A_161 : memref<128xf32, #tpu.memory_space<vmem>>) target(%dma_start3A_159 : memref<128xf32, #tpu.memory_space<hbm>>) target_semaphore(%arg19 : memref<!tpu.dma_semaphore, #tpu.memory_space<semaphore_mem>>)
    %dma_wait3A_162 = arith.constant 384 : i32
    %dma_wait3A_163 = tpu.memref_slice %arg9[%dma_wait3A_162] : memref<512xi32, #tpu.memory_space<vmem>> -> memref<128xi32, #tpu.memory_space<vmem>>
    %dma_wait3A_164 = arith.constant 0 : i32
    %dma_wait3A_165 = arith.constant 0 : i32
    %dma_wait3A_166 = tpu.memref_slice %arg5[%dma_wait3A_164, %dma_wait3A_165] : memref<14541x128xf32, #tpu.memory_space<hbm>> -> memref<14541x128xf32, #tpu.memory_space<hbm>>
    tpu.wait_indirect_dma semaphore(%arg15 : memref<!tpu.dma_semaphore, #tpu.memory_space<semaphore_mem>>) src(%dma_wait3A_166 : memref<14541x128xf32, #tpu.memory_space<hbm>>) dst(%arg21 : memref<128x128xf32, #tpu.memory_space<vmem>>)
    %dma_wait3A_167 = arith.constant 384 : i32
    %dma_wait3A_168 = tpu.memref_slice %arg10[%dma_wait3A_167] : memref<512xi32, #tpu.memory_space<vmem>> -> memref<128xi32, #tpu.memory_space<vmem>>
    %dma_wait3A_169 = arith.constant 0 : i32
    %dma_wait3A_170 = arith.constant 0 : i32
    %dma_wait3A_171 = tpu.memref_slice %arg5[%dma_wait3A_169, %dma_wait3A_170] : memref<14541x128xf32, #tpu.memory_space<hbm>> -> memref<14541x128xf32, #tpu.memory_space<hbm>>
    tpu.wait_indirect_dma semaphore(%arg15 : memref<!tpu.dma_semaphore, #tpu.memory_space<semaphore_mem>>) src(%dma_wait3A_171 : memref<14541x128xf32, #tpu.memory_space<hbm>>) dst(%arg22 : memref<128x128xf32, #tpu.memory_space<vmem>>)
    %parallel_loop3A_172 = arith.constant 0 : i32
    %parallel_loop3A_173 = arith.constant 128 : i32
    %parallel_loop3A_174 = arith.constant 1 : i32
    scf.for %parallel_loop3A_207 = %parallel_loop3A_172 to %parallel_loop3A_173 step %parallel_loop3A_174  : i32 {
      %parallel_loop3A_208 = arith.index_cast %parallel_loop3A_207 : i32 to index
      %parallel_loop3A_209 = arith.constant 0 : index
      %parallel_loop3A_210 = tpu.vector_load %arg21[%parallel_loop3A_208, %parallel_loop3A_209] {strides = array<i32>} : memref<128x128xf32, #tpu.memory_space<vmem>>, vector<16xf32>,
      %parallel_loop3A_211 = arith.index_cast %parallel_loop3A_207 : i32 to index
      %parallel_loop3A_212 = arith.constant 0 : index
      %parallel_loop3A_213 = tpu.vector_load %arg22[%parallel_loop3A_211, %parallel_loop3A_212] {strides = array<i32>} : memref<128x128xf32, #tpu.memory_space<vmem>>, vector<16xf32>,
      %parallel_loop3A_214 = arith.mulf %parallel_loop3A_210, %parallel_loop3A_213 : vector<16xf32>
      %parallel_loop3A_215 = arith.mulf %parallel_loop3A_214, %get3A_51 : vector<16xf32>
      %parallel_loop3A_216 = arith.index_cast %parallel_loop3A_207 : i32 to index
      %parallel_loop3A_217 = arith.constant 16 : index
      %parallel_loop3A_218 = tpu.vector_load %arg21[%parallel_loop3A_216, %parallel_loop3A_217] {strides = array<i32>} : memref<128x128xf32, #tpu.memory_space<vmem>>, vector<16xf32>,
      %parallel_loop3A_219 = arith.index_cast %parallel_loop3A_207 : i32 to index
      %parallel_loop3A_220 = arith.constant 16 : index
      %parallel_loop3A_221 = tpu.vector_load %arg22[%parallel_loop3A_219, %parallel_loop3A_220] {strides = array<i32>} : memref<128x128xf32, #tpu.memory_space<vmem>>, vector<16xf32>,
      %parallel_loop3A_222 = arith.mulf %parallel_loop3A_218, %parallel_loop3A_221 : vector<16xf32>
      %parallel_loop3A_223 = arith.mulf %parallel_loop3A_222, %get3A_55 : vector<16xf32>
      %parallel_loop3A_224 = arith.index_cast %parallel_loop3A_207 : i32 to index
      %parallel_loop3A_225 = arith.constant 32 : index
      %parallel_loop3A_226 = tpu.vector_load %arg21[%parallel_loop3A_224, %parallel_loop3A_225] {strides = array<i32>} : memref<128x128xf32, #tpu.memory_space<vmem>>, vector<16xf32>,
      %parallel_loop3A_227 = arith.index_cast %parallel_loop3A_207 : i32 to index
      %parallel_loop3A_228 = arith.constant 32 : index
      %parallel_loop3A_229 = tpu.vector_load %arg22[%parallel_loop3A_227, %parallel_loop3A_228] {strides = array<i32>} : memref<128x128xf32, #tpu.memory_space<vmem>>, vector<16xf32>,
      %parallel_loop3A_230 = arith.mulf %parallel_loop3A_226, %parallel_loop3A_229 : vector<16xf32>
      %parallel_loop3A_231 = arith.mulf %parallel_loop3A_230, %get3A_59 : vector<16xf32>
      %parallel_loop3A_232 = arith.index_cast %parallel_loop3A_207 : i32 to index
      %parallel_loop3A_233 = arith.constant 48 : index
      %parallel_loop3A_234 = tpu.vector_load %arg21[%parallel_loop3A_232, %parallel_loop3A_233] {strides = array<i32>} : memref<128x128xf32, #tpu.memory_space<vmem>>, vector<16xf32>,
      %parallel_loop3A_235 = arith.index_cast %parallel_loop3A_207 : i32 to index
      %parallel_loop3A_236 = arith.constant 48 : index
      %parallel_loop3A_237 = tpu.vector_load %arg22[%parallel_loop3A_235, %parallel_loop3A_236] {strides = array<i32>} : memref<128x128xf32, #tpu.memory_space<vmem>>, vector<16xf32>,
      %parallel_loop3A_238 = arith.mulf %parallel_loop3A_234, %parallel_loop3A_237 : vector<16xf32>
      %parallel_loop3A_239 = arith.mulf %parallel_loop3A_238, %get3A_63 : vector<16xf32>
      %parallel_loop3A_240 = arith.index_cast %parallel_loop3A_207 : i32 to index
      %parallel_loop3A_241 = arith.constant 64 : index
      %parallel_loop3A_242 = tpu.vector_load %arg21[%parallel_loop3A_240, %parallel_loop3A_241] {strides = array<i32>} : memref<128x128xf32, #tpu.memory_space<vmem>>, vector<16xf32>,
      %parallel_loop3A_243 = arith.index_cast %parallel_loop3A_207 : i32 to index
      %parallel_loop3A_244 = arith.constant 64 : index
      %parallel_loop3A_245 = tpu.vector_load %arg22[%parallel_loop3A_243, %parallel_loop3A_244] {strides = array<i32>} : memref<128x128xf32, #tpu.memory_space<vmem>>, vector<16xf32>,
      %parallel_loop3A_246 = arith.mulf %parallel_loop3A_242, %parallel_loop3A_245 : vector<16xf32>
      %parallel_loop3A_247 = arith.mulf %parallel_loop3A_246, %get3A_67 : vector<16xf32>
      %parallel_loop3A_248 = arith.index_cast %parallel_loop3A_207 : i32 to index
      %parallel_loop3A_249 = arith.constant 80 : index
      %parallel_loop3A_250 = tpu.vector_load %arg21[%parallel_loop3A_248, %parallel_loop3A_249] {strides = array<i32>} : memref<128x128xf32, #tpu.memory_space<vmem>>, vector<16xf32>,
      %parallel_loop3A_251 = arith.index_cast %parallel_loop3A_207 : i32 to index
      %parallel_loop3A_252 = arith.constant 80 : index
      %parallel_loop3A_253 = tpu.vector_load %arg22[%parallel_loop3A_251, %parallel_loop3A_252] {strides = array<i32>} : memref<128x128xf32, #tpu.memory_space<vmem>>, vector<16xf32>,
      %parallel_loop3A_254 = arith.mulf %parallel_loop3A_250, %parallel_loop3A_253 : vector<16xf32>
      %parallel_loop3A_255 = arith.mulf %parallel_loop3A_254, %get3A_71 : vector<16xf32>
      %parallel_loop3A_256 = arith.index_cast %parallel_loop3A_207 : i32 to index
      %parallel_loop3A_257 = arith.constant 96 : index
      %parallel_loop3A_258 = tpu.vector_load %arg21[%parallel_loop3A_256, %parallel_loop3A_257] {strides = array<i32>} : memref<128x128xf32, #tpu.memory_space<vmem>>, vector<16xf32>,
      %parallel_loop3A_259 = arith.index_cast %parallel_loop3A_207 : i32 to index
      %parallel_loop3A_260 = arith.constant 96 : index
      %parallel_loop3A_261 = tpu.vector_load %arg22[%parallel_loop3A_259, %parallel_loop3A_260] {strides = array<i32>} : memref<128x128xf32, #tpu.memory_space<vmem>>, vector<16xf32>,
      %parallel_loop3A_262 = arith.mulf %parallel_loop3A_258, %parallel_loop3A_261 : vector<16xf32>
      %parallel_loop3A_263 = arith.mulf %parallel_loop3A_262, %get3A_75 : vector<16xf32>
      %parallel_loop3A_264 = arith.index_cast %parallel_loop3A_207 : i32 to index
      %parallel_loop3A_265 = arith.constant 112 : index
      %parallel_loop3A_266 = tpu.vector_load %arg21[%parallel_loop3A_264, %parallel_loop3A_265] {strides = array<i32>} : memref<128x128xf32, #tpu.memory_space<vmem>>, vector<16xf32>,
      %parallel_loop3A_267 = arith.index_cast %parallel_loop3A_207 : i32 to index
      %parallel_loop3A_268 = arith.constant 112 : index
      %parallel_loop3A_269 = tpu.vector_load %arg22[%parallel_loop3A_267, %parallel_loop3A_268] {strides = array<i32>} : memref<128x128xf32, #tpu.memory_space<vmem>>, vector<16xf32>,
      %parallel_loop3A_270 = arith.mulf %parallel_loop3A_266, %parallel_loop3A_269 : vector<16xf32>
      %parallel_loop3A_271 = arith.mulf %parallel_loop3A_270, %get3A_79 : vector<16xf32>
      %parallel_loop3A_272 = arith.addf %parallel_loop3A_215, %parallel_loop3A_223 : vector<16xf32>
      %parallel_loop3A_273 = arith.addf %parallel_loop3A_231, %parallel_loop3A_239 : vector<16xf32>
      %parallel_loop3A_274 = arith.addf %parallel_loop3A_247, %parallel_loop3A_255 : vector<16xf32>
      %parallel_loop3A_275 = arith.addf %parallel_loop3A_263, %parallel_loop3A_271 : vector<16xf32>
      %parallel_loop3A_276 = arith.addf %parallel_loop3A_272, %parallel_loop3A_273 : vector<16xf32>
      %parallel_loop3A_277 = arith.addf %parallel_loop3A_274, %parallel_loop3A_275 : vector<16xf32>
      %parallel_loop3A_278 = arith.addf %parallel_loop3A_276, %parallel_loop3A_277 : vector<16xf32>
      %parallel_loop3A_279 = arith.addf %parallel_loop3A_278, %get3A_47 : vector<16xf32>
      %parallel_loop3A_280 = arith.constant true
      %parallel_loop3A_281 = vector.broadcast %parallel_loop3A_280 : i1 to vector<16xi1>
      %parallel_loop3A_282 = tpu.scan <sum>, %parallel_loop3A_279 masked %parallel_loop3A_281 : vector<16xf32>, vector<16xi1> -> vector<16xf32>
      %parallel_loop3A_283 = arith.constant 0.000000e+00 : f32
      %parallel_loop3A_284 = vector.broadcast %parallel_loop3A_283 : f32 to vector<16xf32>
      %parallel_loop3A_285 = arith.subf %parallel_loop3A_284, %parallel_loop3A_282 : vector<16xf32>
      %parallel_loop3A_286 = math.exp %parallel_loop3A_285 : vector<16xf32>
      %parallel_loop3A_287 = arith.constant 1.000000e+00 : f32
      %parallel_loop3A_288 = vector.broadcast %parallel_loop3A_287 : f32 to vector<16xf32>
      %parallel_loop3A_289 = arith.addf %parallel_loop3A_288, %parallel_loop3A_286 : vector<16xf32>
      %parallel_loop3A_290 = arith.constant 1.000000e+00 : f32
      %parallel_loop3A_291 = vector.broadcast %parallel_loop3A_290 : f32 to vector<16xf32>
      %parallel_loop3A_292 = arith.divf %parallel_loop3A_291, %parallel_loop3A_289 : vector<16xf32>
      %parallel_loop3A_293 = arith.constant 384 : i32
      %parallel_loop3A_294 = arith.addi %parallel_loop3A_293, %parallel_loop3A_207 : i32
      %parallel_loop3A_295 = arith.index_cast %parallel_loop3A_294 : i32 to index
      %parallel_loop3A_296 = tpu.vector_load %arg14[%parallel_loop3A_295] masked %eq3A_19 {strides = array<i32>} : memref<528xf32, #tpu.memory_space<vmem>>, vector<16xf32>, vector<16xi1>
      tpu.vector_store %arg14[%parallel_loop3A_295], %parallel_loop3A_292 masked %eq3A_19 {strides = array<i32>} : memref<528xf32, #tpu.memory_space<vmem>>, vector<16xf32>, vector<16xi1>
    } {sc.loop_unroll_factor = 2 : i64, sc.parallel_access}
    %add3A_175 = arith.constant 384 : i32
    %add3A_176 = arith.addi %mul3A_2, %add3A_175 : i32
    %dma_start3A_177 = arith.constant 384 : i32
    %dma_start3A_178 = tpu.memref_slice %arg14[%dma_start3A_177] : memref<528xf32, #tpu.memory_space<vmem>> -> memref<128xf32, #tpu.memory_space<vmem>>
    %dma_start3A_179 = tpu.memref_slice %arg8[%add3A_176] : memref<16384xf32, #tpu.memory_space<hbm>> -> memref<128xf32, #tpu.memory_space<hbm>>
    %dma_start3A_180 = tpu.memref_slice %arg8[%add3A_176] : memref<16384xf32, #tpu.memory_space<hbm>> -> memref<128xf32, #tpu.memory_space<hbm>>
    %dma_start3A_181 = arith.constant 384 : i32
    %dma_start3A_182 = tpu.memref_slice %arg14[%dma_start3A_181] : memref<528xf32, #tpu.memory_space<vmem>> -> memref<128xf32, #tpu.memory_space<vmem>>
    tpu.enqueue_dma source(%dma_start3A_182 : memref<128xf32, #tpu.memory_space<vmem>>) target(%dma_start3A_180 : memref<128xf32, #tpu.memory_space<hbm>>) target_semaphore(%arg19 : memref<!tpu.dma_semaphore, #tpu.memory_space<semaphore_mem>>)
    %dma_wait3A_183 = arith.constant 0 : i32
    %dma_wait3A_184 = tpu.memref_slice %arg14[%dma_wait3A_183] : memref<528xf32, #tpu.memory_space<vmem>> -> memref<128xf32, #tpu.memory_space<vmem>>
    %dma_wait3A_185 = tpu.memref_slice %arg8[%add3A_103] : memref<16384xf32, #tpu.memory_space<hbm>> -> memref<128xf32, #tpu.memory_space<hbm>>
    %dma_wait3A_186 = tpu.memref_slice %arg8[%add3A_103] : memref<16384xf32, #tpu.memory_space<hbm>> -> memref<128xf32, #tpu.memory_space<hbm>>
    %dma_wait3A_187 = arith.constant 0 : i32
    %dma_wait3A_188 = tpu.memref_slice %arg14[%dma_wait3A_187] : memref<528xf32, #tpu.memory_space<vmem>> -> memref<128xf32, #tpu.memory_space<vmem>>
    tpu.wait_dma2 semaphore(%arg19 : memref<!tpu.dma_semaphore, #tpu.memory_space<semaphore_mem>>) src(%dma_wait3A_188 : memref<128xf32, #tpu.memory_space<vmem>>) dst(%dma_wait3A_186 : memref<128xf32, #tpu.memory_space<hbm>>)
    %dma_wait3A_189 = arith.constant 128 : i32
    %dma_wait3A_190 = tpu.memref_slice %arg14[%dma_wait3A_189] : memref<528xf32, #tpu.memory_space<vmem>> -> memref<128xf32, #tpu.memory_space<vmem>>
    %dma_wait3A_191 = tpu.memref_slice %arg8[%add3A_134] : memref<16384xf32, #tpu.memory_space<hbm>> -> memref<128xf32, #tpu.memory_space<hbm>>
    %dma_wait3A_192 = tpu.memref_slice %arg8[%add3A_134] : memref<16384xf32, #tpu.memory_space<hbm>> -> memref<128xf32, #tpu.memory_space<hbm>>
    %dma_wait3A_193 = arith.constant 128 : i32
    %dma_wait3A_194 = tpu.memref_slice %arg14[%dma_wait3A_193] : memref<528xf32, #tpu.memory_space<vmem>> -> memref<128xf32, #tpu.memory_space<vmem>>
    tpu.wait_dma2 semaphore(%arg19 : memref<!tpu.dma_semaphore, #tpu.memory_space<semaphore_mem>>) src(%dma_wait3A_194 : memref<128xf32, #tpu.memory_space<vmem>>) dst(%dma_wait3A_192 : memref<128xf32, #tpu.memory_space<hbm>>)
    %dma_wait3A_195 = arith.constant 256 : i32
    %dma_wait3A_196 = tpu.memref_slice %arg14[%dma_wait3A_195] : memref<528xf32, #tpu.memory_space<vmem>> -> memref<128xf32, #tpu.memory_space<vmem>>
    %dma_wait3A_197 = tpu.memref_slice %arg8[%add3A_155] : memref<16384xf32, #tpu.memory_space<hbm>> -> memref<128xf32, #tpu.memory_space<hbm>>
    %dma_wait3A_198 = tpu.memref_slice %arg8[%add3A_155] : memref<16384xf32, #tpu.memory_space<hbm>> -> memref<128xf32, #tpu.memory_space<hbm>>
    %dma_wait3A_199 = arith.constant 256 : i32
    %dma_wait3A_200 = tpu.memref_slice %arg14[%dma_wait3A_199] : memref<528xf32, #tpu.memory_space<vmem>> -> memref<128xf32, #tpu.memory_space<vmem>>
    tpu.wait_dma2 semaphore(%arg19 : memref<!tpu.dma_semaphore, #tpu.memory_space<semaphore_mem>>) src(%dma_wait3A_200 : memref<128xf32, #tpu.memory_space<vmem>>) dst(%dma_wait3A_198 : memref<128xf32, #tpu.memory_space<hbm>>)
    %dma_wait3A_201 = arith.constant 384 : i32
    %dma_wait3A_202 = tpu.memref_slice %arg14[%dma_wait3A_201] : memref<528xf32, #tpu.memory_space<vmem>> -> memref<128xf32, #tpu.memory_space<vmem>>
    %dma_wait3A_203 = tpu.memref_slice %arg8[%add3A_176] : memref<16384xf32, #tpu.memory_space<hbm>> -> memref<128xf32, #tpu.memory_space<hbm>>
    %dma_wait3A_204 = tpu.memref_slice %arg8[%add3A_176] : memref<16384xf32, #tpu.memory_space<hbm>> -> memref<128xf32, #tpu.memory_space<hbm>>
    %dma_wait3A_205 = arith.constant 384 : i32
    %dma_wait3A_206 = tpu.memref_slice %arg14[%dma_wait3A_205] : memref<528xf32, #tpu.memory_space<vmem>> -> memref<128xf32, #tpu.memory_space<vmem>>
    tpu.wait_dma2 semaphore(%arg19 : memref<!tpu.dma_semaphore, #tpu.memory_space<semaphore_mem>>) src(%dma_wait3A_206 : memref<128xf32, #tpu.memory_space<vmem>>) dst(%dma_wait3A_204 : memref<128xf32, #tpu.memory_space<hbm>>)
    return
  }
}

</mosaic_0001>

<sc_bundles>
// kernel: kernel.3.cloned.1.call-start
scs
__scs_entry_jumppad:
0x0: {  	(pc) =	sbr.rel $0x88, $3  }
0x1: {  	(tag) =	ssettag $0x0;
	lr =	simm.s32 $0x1  }
0x2: {  	[smem:$0x3F9B] =	sst lr;
	_ =	strace $0xD0000000  }
0x3: {  	_ = 	snop  }
0x4: {  	_ = 	snop  }
0x5: {  	_ = 	snop  }
0x6: {  	_ = 	snop  }
0x7: {  	_ = 	snop  }
__scs_overlays_trampoline_lowered:
0x8: {  	[smem:$0x3FAA] =	sst s0  }
0x9: {  	[smem:$0x3FAB] =	sst s1  }
0xa: {  	[smem:$0x3FAC] =	sst s2  }
0xb: {  	[smem:$0x3FAD] =	sst s3  }
0xc: {  	[smem:$0x3FAE] =	sst s4  }
0xd: {  	[smem:$0x3FAF] =	sst s5  }
0xe: {  	[smem:$0x3FB0] =	sst s6  }
0xf: {  	[smem:$0x3FB1] =	sst s7  }
0x10: {  	[smem:$0x3FB2] =	sst s8  }
0x11: {  	[smem:$0x3FB3] =	sst s9;
	s0 =	simm.s32 @!p0 $0x0  }
0x12: {  	s1 =	sld [smem:$0x3F99];
	s0 =	simm.s32 @p0 $0x1  }
0x13: {  	[smem:$0x3FB4] =	sst s0;
	s0 =	simm.s32 @!p1 $0x0  }
0x14: {  	s2 =	sld [smem:$0x3F98];
	s0 =	simm.s32 @p1 $0x1  }
0x15: {  	[smem:$0x3FB5] =	sst s0;
	s0 =	simm.s32 @!p2 $0x0  }
0x16: {  	s3 =	sld [smem:$0x3FDB];
	s0 =	simm.s32 @p2 $0x1  }
0x17: {  	s4 =	simm.s32 $0x1BF5;
	[smem:$0x3FB7] =	sst s0  }
0x18: {  	s0 =	sld [smem:$0x3F9A];
	_ =	swait.ge [sflag:s4], $0x0  }
0x19: {  	s7 =	sld [smem:$0x3F9B]  }
0x1a: {  	s8 =	sadd.s32 $0xFFFFE003, lr  }
0x1b: {  	s9 =	sadd.s32 $0xFFFFFEF7, lr;
	s5 =	simm.s32 $0xFFFFFFFF;
	p2 =	slt.u32 s8, $0xFFFFF086  }
0x1c: {  	p1 =	slt.u32 s9, $0xF7A;
	s5 =	simm.s32 @!p2 $0x0  }
0x1d: {  	s5 =	simm.s32 @p1 $0x1;
	p0 =	seq.s32 s7, s2  }
0x1e: {  	s7 =	smul.u32 @!p0 $0xF7A, s2;
	p2 =	seq.s32 @!p0 s5, $0x0  }
0x1f: {  	s9 =	smul.u32 $0xF7A, s1;
	s8 =	simm.s32 @!p0 $0x1BF5;
	p2 =	por !p2, p0  }
0x20: {  	[sflag:s8] =	ssyncset.s32 @!p0 $0xFFFFF086;
	s6 =	sadd.s32 @!p0 s3, s7;
	s7 =	simm.s32 @!p0 $0x108  }
0x21: {  	s3 =	sadd.s32 s3, s9;
	s6 =	sadd.s32 @!p0 $0x88, s6;
	s7 =	simm.s32 @p2 $0x1082  }
0x22: {  	[simem:s7], [sflag:s8] =	dma.local @!p0 [hbm:s6], $0xF7A  }
0x23: {  	s9 =	sor.u32 $0xD0000000, s2;
	s6 =	simm.s32 $0x108;
	_ =	swait.ge @!p0 [sflag:s8], $0x0  }
0x24: {  	s3 =	sadd.s32 $0x88, s3;
	s6 =	simm.s32 @!p1 $0x1082;
	[sflag:s4] =	ssyncset.s32 $0xFFFFF086  }
0x25: {  	[simem:s6], [sflag:s4] =	dma.local [hbm:s3], $0xF7A  }
0x26: {  	[smem:$0x3F9B] =	sst s1;
	(tag) =	ssettag s2;
	_ =	strace s9  }
0x27: {  	s1 =	sld [smem:$0x3FAB]  }
0x28: {  	s2 =	sld [smem:$0x3FAC]  }
0x29: {  	s4 =	sld [smem:$0x3FAE]  }
0x2a: {  	p0 =	seq.s32 s5, $0x0;
	s5 =	sld [smem:$0x3FAF]  }
0x2b: {  	s6 =	sld [smem:$0x3FB0]  }
0x2c: {  	s7 =	sld [smem:$0x3FB1]  }
0x2d: {  	s3 =	simm.s32 $0x108;
	s8 =	sld [smem:$0x3FB2]  }
0x2e: {  	s3 =	simm.s32 @!p0 $0x1082;
	s9 =	sld [smem:$0x3FB3]  }
0x2f: {  	lr =	sadd.s32 s0, s3;
	s0 =	sld [smem:$0x3FAA]  }
0x30: {  	s3 =	sld [smem:$0x3FAD]  }
0x31: {  	[smem:$0x3FB6] =	sst s10  }
0x32: {  	s10 =	sld [smem:$0x3FB4];
	_ =	sdelay $0x3  }
0x33: {  	p0 =	seq.s32 s10, $0x1;
	s10 =	sld [smem:$0x3FB6];
	_ =	sdelay $0x3  }
0x34: {  	[smem:$0x3FB6] =	sst s10  }
0x35: {  	s10 =	sld [smem:$0x3FB5];
	_ =	sdelay $0x3  }
0x36: {  	p1 =	seq.s32 s10, $0x1;
	s10 =	sld [smem:$0x3FB6];
	_ =	sdelay $0x3  }
0x37: {  	[smem:$0x3FB6] =	sst s10  }
0x38: {  	s10 =	sld [smem:$0x3FB7]  }
0x39: {  	_ = 	snop;
	(pc) =	sbr.ind lr, $3  }
0x3a: {  	_ = 	snop  }
0x3b: {  	_ = 	snop  }
0x3c: {  	p2 =	seq.s32 s10, $0x1;
	s10 =	sld [smem:$0x3FB6]  }
0x3d: {  	_ =	shalt  }
0x3e: {  	_ =	shalt  }
0x3f: {  	_ =	shalt  }
0x40: {  	_ =	shalt  }
0x41: {  	_ =	shalt  }
0x42: {  	_ =	shalt  }
0x43: {  	_ =	shalt  }
0x44: {  	_ =	shalt  }
0x45: {  	_ =	shalt  }
0x46: {  	_ =	shalt  }
0x47: {  	_ =	shalt  }
0x48: {  	_ =	shalt  }
0x49: {  	_ =	shalt  }
0x4a: {  	_ =	shalt  }
0x4b: {  	_ =	shalt  }
0x4c: {  	_ =	shalt  }
0x4d: {  	_ =	shalt  }
0x4e: {  	_ =	shalt  }
0x4f: {  	_ =	shalt  }
0x50: {  	_ =	shalt  }
0x51: {  	_ =	shalt  }
0x52: {  	_ =	shalt  }
0x53: {  	_ =	shalt  }
0x54: {  	_ =	shalt  }
0x55: {  	_ =	shalt  }
0x56: {  	_ =	shalt  }
0x57: {  	_ =	shalt  }
0x58: {  	_ =	shalt  }
0x59: {  	_ =	shalt  }
0x5a: {  	_ =	shalt  }
0x5b: {  	_ =	shalt  }
0x5c: {  	_ =	shalt  }
0x5d: {  	_ =	shalt  }
0x5e: {  	_ =	shalt  }
0x5f: {  	_ =	shalt  }
0x60: {  	_ =	shalt  }
0x61: {  	_ =	shalt  }
0x62: {  	_ =	shalt  }
0x63: {  	_ =	shalt  }
0x64: {  	_ =	shalt  }
0x65: {  	_ =	shalt  }
0x66: {  	_ =	shalt  }
0x67: {  	_ =	shalt  }
0x68: {  	_ =	shalt  }
0x69: {  	_ =	shalt  }
0x6a: {  	_ =	shalt  }
0x6b: {  	_ =	shalt  }
0x6c: {  	_ =	shalt  }
0x6d: {  	_ =	shalt  }
0x6e: {  	_ =	shalt  }
0x6f: {  	_ =	shalt  }
0x70: {  	_ =	shalt  }
0x71: {  	_ =	shalt  }
0x72: {  	_ =	shalt  }
0x73: {  	_ =	shalt  }
0x74: {  	_ =	shalt  }
0x75: {  	_ =	shalt  }
0x76: {  	_ =	shalt  }
0x77: {  	_ =	shalt  }
0x78: {  	_ =	shalt  }
0x79: {  	_ =	shalt  }
0x7a: {  	_ =	shalt  }
0x7b: {  	_ =	shalt  }
0x7c: {  	_ =	shalt  }
0x7d: {  	_ =	shalt  }
0x7e: {  	_ =	shalt  }
0x7f: {  	_ =	shalt  }
0x80: {  	_ =	shalt  }
0x81: {  	_ =	shalt  }
0x82: {  	_ =	shalt  }
0x83: {  	_ =	shalt  }
0x84: {  	_ =	shalt  }
0x85: {  	_ =	shalt  }
0x86: {  	_ =	shalt  }
0x87: {  	_ =	shalt  }
.Lfunc_end0:
.L_simem_size_0:
called_computation_lowered:
.L_overlay_start_0:
0x88: {  	s2 =	sld [smem:$0x3FD9]  }
0x89: {  	s3 =	sld [smem:$0x3FFE];
	_ =	sdelay $0x1  }
0x8a: {  	s1 =	srdreg.scid  }
0x8b: {  	s0 =	sand.u32 $0x1, s1  }
0x8c: {  	s18 =	sshll.u32 s0, $0xA;
	s2 =	sadd.s32 s3, s2  }
0x8d: {  	s2 =	sadd.s32 s2, s18  }
0x8e: {  	[smem:$0x3FC2] =	sst s2  }
0x8f: {  	_ = 	snop  }
0x90: {  	s2 =	sld [smem:$0x3FC9]  }
0x91: {  	s19 =	sld [smem:$0x3FC8]  }
0x92: {  	s4 =	sld [smem:$0x3FC7]  }
0x93: {  	s5 =	sld [smem:$0x3FC6]  }
0x94: {  	s6 =	sld [smem:$0x3FC5]  }
0x95: {  	s7 =	sld [smem:$0x3FC4]  }
0x96: {  	s8 =	sld [smem:$0x3FD0];
	(tm) =	ssettm $0x1  }
0x97: {  	s9 =	sld [smem:$0x3FFB];
	_ =	sdelay $0x3  }
0x98: {  	_ =	strace s9  }
0x99: {  	s9 =	sld [smem:$0x3FFC];
	_ =	sdelay $0x3  }
0x9a: {  	_ =	strace s9  }
0x9b: {  	s9 =	sld [smem:$0x3FFD];
	_ =	sdelay $0x3  }
0x9c: {  	_ =	strace s9  }
0x9d: {  	_ =	strace $0x8FFFFFFF  }
0x9e: {  	s20 =	sld [smem:$0x3FDB];
	_ =	sdelay $0x1  }
0x9f: {  	s10 =	simm.s32 $_scs_section_size  }
0xa0: {  	s11 =	simm.s32 $_size__tile_overlayer_lowered;
	s12 =	simm.s32 $_tile_overlayer_lowered  }
0xa1: {  	s23 =	simm.s32 $0x1BFF;
	s22 =	sshll.u32 s12, $0x1;
	s9 =	sadd.s32 s10, s20  }
0xa2: {  	s13 =	simm.s32 $0x0;
	s21 =	sshll.u32 s11, $0x1;
	s11 =	sadd.s32 s22, s9  }
0xa3: {  	[timem:s13], [sflag:s23] =	dma.local [hbm:s11], s21  }
0xa4: {  	_ =	swait.ge [sflag:s23], s21  }
0xa5: {  	s10 =	ssub.s32 $0x0, s21;
	[sflag:s23] =	ssyncset.done $0x0  }
0xa6: {  	[sflag:s23] =	ssyncadd.s32 s10;
	_ =	sdelay $0x1  }
0xa7: {  	s24 =	simm.s32 $0x1B8B  }
0xa8: {  	_ =	swait.ge [sflag:s24], $0x1  }
0xa9: {  	[sflag:s24] =	ssyncset.done $0x0  }
0xaa: {  	s25 =	simm.s32 $0x1B8E;
	[sflag:s24] =	ssyncadd.s32 $0xFFFFFFFF  }
0xab: {  	s26 =	simm.s32 $execute0_lowered;
	[smem:$0x3FD2] =	sst s25  }
0xac: {  	s10 =	sshll.u32 s26, $0x1;
	_ =	strace $0x80000046;
	[dreg:$0x1] =	wrdreg $0xFFFFFFFF  }
0xad: {  	s28 =	simm.s32 $_size_execute0_lowered;
	s9 =	sadd.s32 s9, s10;
	[dreg:$0x0] =	wrdreg $0x0  }
0xae: {  	s10 =	sshll.u32 s28, $0x1;
	[dreg:$0x2] =	wrdreg s9  }
0xaf: {  	[dreg:$0x3] =	wrdreg s10  }
0xb0: {  	[dreg:$0x4] =	wrdreg $0xC0  }
0xb1: {  	_ =	task [dreg:s13], $0x5FFFF  }
0xb2: {  	[dreg:$0x1] =	wrdreg $0xFFFFFFFF  }
0xb3: {  	[dreg:$0x0] =	wrdreg $0x60  }
0xb4: {  	[dreg:$0x2] =	wrdreg s2  }
0xb5: {  	[dreg:$0x3] =	wrdreg s19  }
0xb6: {  	[dreg:$0x4] =	wrdreg s4  }
0xb7: {  	[dreg:$0x5] =	wrdreg s5  }
0xb8: {  	[dreg:$0x6] =	wrdreg s6  }
0xb9: {  	[dreg:$0x7] =	wrdreg s7  }
0xba: {  	[dreg:$0x8] =	wrdreg s8  }
0xbb: {  	[dreg:$0x9] =	wrdreg $0x9  }
0xbc: {  	_ =	task.clear_ibuf [dreg:s13], $0xAFFFF;
	_ =	strace $0x90000046  }
0xbd: {  	s29 =	simm.s32 $0x9;
	_ =	strace $0x80000048  }
0xbe: {  	_ =	swait.ge [sflag:s29], $0x1  }
0xbf: {  	[sflag:s29] =	ssyncadd.s32 $0xFFFFFFFF  }
0xc0: {  	_ =	strace $0x90000048  }
0xc1: {  	_ =	sfence  }
0xc2: {  	s30 =	sld [smem:$0x0];
	_ =	sdelay $0x2  }
0xc3: {  	s31 =	sshll.u32 s1, $0xD;
	s1 =	sshrl.u32 s1, $0x2  }
0xc4: {  	s3 =	sand.u32 $0x4000, s31;
	s1 =	sadd.s32 s1, s30  }
0xc5: {  	s0 =	sor.u32 s3, s0;
	s1 =	sshll.u32 s1, $0x11  }
0xc6: {  	s0 =	sor.u32 s1, s0  }
0xc7: {  	s0 =	sadd.s32 $0x8F2B, s0  }
0xc8: {  	[sflag:s0] =	ssyncadd.remote.s32 $0x1  }
0xc9: {  	_ =	sfence.sel $0xFFFF  }
0xca: {  	[dreg:$0x0] =	wrdreg $0xFFFFFFFF;
	(pc) =	sbr.abs _section_cstart, $3  }
0xcb: {  	[dreg:$0x1] =	wrdreg $0xFFFFFFFF  }
0xcc: {  	_ =	task.clear_ibuf [dreg:s13], $0x2FFFF;
	_ =	strace $0x9FFFFFFF  }
0xcd: {  	(tm) =	ssettm $0x7FFFFFFF  }
tec
execute0_lowered:
.L_overlay_start_1:
0x0: {  	(tag) =	ssettag $0x1  }
0x1: {  	s0 =	rddreg [dreg:$0x0]  }
0x2: {  	s1 =	rddreg [dreg:$0x1]  }
0x3: {  	s2 =	rddreg [dreg:$0x3]  }
0x4: {  	s3 =	rddreg [dreg:$0x6];
	s6 =	simm.s32 $0x0  }
0x5: {  	s4 =	srdreg.scid;
	s7 =	stileid.u32;
	s14 =	simm.s32 $0x200  }
0x6: {  	s15 =	simm.s32 $0x400;
	s16 =	simm.s32 $0x7;
	s17 =	simm.s32 $0x1  }
0x7: {  	s20 =	simm.s32 $0x4;
	s21 =	simm.s32 $0x80;
	s22 =	simm.s32 $0x800  }
0x8: {  	s23 =	simm.s32 $0x4800;
	s28 =	simm.s32 $0x6;
	s18 =	simm.s32 $0x600  }
0x9: {  	s19 =	simm.s32 $0x3;
	s24 =	simm.s32 $0x680;
	s25 =	simm.s32 $0x700  }
0xa: {  	s26 =	simm.s32 $0x5;
	s29 =	simm.s32 $0x0;
	s4 =	sand.u32 $0x1, s4  }
0xb: {  	s7 =	sshll.u32 s7, $0x7;
	s5 =	ssub.s32 $0x2, s4;
	s4 =	sshll.u32 s4, $0x6  }
0xc: {  	[smem:$0x7FF] =	sst s6;
	s8 =	sshrl.u32 s5, $0x1;
	s4 =	sor.u32 s4, s7  }
0xd: {  	_ =	strace $0x80000047;
	s5 =	ssub.s32 s5, s8;
	s7 =	sadd.s32 s0, s4  }
0xe: {  	s8 =	sadd.s32 s3, s4;
	s9 =	sadd.s32 s1, s4;
	s1 =	simm.s32 $0x180  }
0xf: {  	s3 =	simm.s32 $0x380;
	s4 =	simm.s32 $0x2;
	s10 =	sadd.s32 $0x10, s8  }
0x10: {  	v0 =	vimm.f32 $0.0e+00;
	vm0 =	vcmask $0x3F3C;
	s11 =	sadd.s32 $0x20, s8;
	s12 =	sadd.s32 $0x30, s8;
	s13 =	smax.u32 s5, $0x1  }
.LBB2_1:
0x11: {  	[tilespmem:s6], [sflag:$0x4] =	stream.linear.gather [hbm4b:s7+s6], $0x200, $0x38;
	[tilespmem:$0x18800] =	vst v63  }
0x12: {  	_ = 	snop  }
0x13: {  	[tilespmem:s14], [sflag:$0x4] =	stream.linear.gather [hbm4b:s9+s6], $0x200, $0x38;
	[tilespmem:$0x18800] =	vst v63  }
0x14: {  	s0 =	rddreg [dreg:$0x2];
	[tilespmem:$0x500] =	vst v0  }
0x15: {  	[tilespmem:s15], [sflag:$0x7] =	stream.linear.gather [hbm4b:s0+s6], $0x80, $0x38;
	[tilespmem:$0x18800] =	vst v63  }
0x16: {  	_ =	swait.ge [sflag:s16], $0x80  }
0x17: {  	[sflag:s16] =	ssyncset.done $0x0  }
0x18: {  	[sflag:s16] =	ssyncadd.s32 $0xFFFFFF80  }
0x19: {  	s5 =	simm.s32 $0x480;
	s0 =	rddreg [dreg:$0x4]  }
0x1a: {  	[tilespmem:s5], [sflag:$0x6] =	stream.indirect.gather [hbm4b:s0+s17], $0x80, s15, s17, $0xb8;
	[tilespmem:$0x18800] =	vst v63  }
0x1b: {  	s0 =	rddreg [dreg:$0x5];
	s5 =	simm.s32 $0x500  }
0x1c: {  	[tilespmem:s5], [sflag:$0x6] =	stream.indirect.gather [hbm4b:s0+s17], $0x1, s15, s17, $0xb8;
	[tilespmem:$0x18800] =	vst v63  }
0x1d: {  	_ =	swait.ge [sflag:s20], $0x200  }
0x1e: {  	[sflag:s20] =	ssyncset.done $0x0  }
0x1f: {  	[sflag:s20] =	ssyncadd.s32 $0xFFFFFE00  }
0x20: {  	_ =	swait.ge [sflag:s20], $0x200  }
0x21: {  	[sflag:s20] =	ssyncset.done $0x0  }
0x22: {  	[sflag:s20] =	ssyncadd.s32 $0xFFFFFE00  }
0x23: {  	[tilespmem:s22], [sflag:$0x1] =	stream.indirect.gather [hbm4b:s2+s21], $0x80, s6, s21, $0xb8;
	[tilespmem:$0x18800] =	vst v63  }
0x24: {  	_ = 	snop  }
0x25: {  	[tilespmem:s23], [sflag:$0x1] =	stream.indirect.gather [hbm4b:s2+s21], $0x80, s14, s21, $0xb8;
	[tilespmem:$0x18800] =	vst v63  }
0x26: {  	s5 =	simm.s32 $0x8800  }
0x27: {  	[tilespmem:s5], [sflag:$0x2] =	stream.indirect.gather [hbm4b:s2+s21], $0x80, s21, s21, $0xb8;
	[tilespmem:$0x18800] =	vst v63  }
0x28: {  	s0 =	simm.s32 $0x280;
	s5 =	simm.s32 $0xC800  }
0x29: {  	[tilespmem:s5], [sflag:$0x2] =	stream.indirect.gather [hbm4b:s2+s21], $0x80, s0, s21, $0xb8;
	[tilespmem:$0x18800] =	vst v63  }
0x2a: {  	_ =	swait.ge [sflag:s28], $0x80  }
0x2b: {  	[sflag:s28] =	ssyncset.done $0x0  }
0x2c: {  	[sflag:s28] =	ssyncadd.s32 $0xFFFFFF80  }
0x2d: {  	_ =	swait.ge [sflag:s28], $0x1  }
0x2e: {  	[sflag:s28] =	ssyncset.done $0x0  }
0x2f: {  	[sflag:s28] =	ssyncadd.s32 $0xFFFFFFFF  }
0x30: {  	v1 =	vld [tilespmem:$0x500]  }
0x31: {  	v2 =	vld [tilespmem:$0x480]  }
0x32: {  	v6 =	vld [tilespmem:$0x490]  }
0x33: {  	v7 =	vld [tilespmem:$0x4A0]  }
0x34: {  	v8 =	vld [tilespmem:$0x4B0]  }
0x35: {  	v9 =	vld [tilespmem:$0x4C0]  }
0x36: {  	v3 =	vld [tilespmem:$0x4D0]  }
0x37: {  	s0 =	simm.s32 $0x100;
	s5 =	simm.s32 $0x10800;
	v4 =	vld [tilespmem:$0x4E0]  }
0x38: {  	v5 =	vld [tilespmem:$0x4F0];
	[tilespmem:s5], [sflag:$0x3] =	stream.indirect.gather [hbm4b:s2+s21], $0x80, s0, s21, $0xb8  }
0x39: {  	s0 =	simm.s32 $0x300;
	s5 =	simm.s32 $0x14800  }
0x3a: {  	[tilespmem:s5], [sflag:$0x3] =	stream.indirect.gather [hbm4b:s2+s21], $0x80, s0, s21, $0xb8;
	[tilespmem:$0x18800] =	vst v63  }
0x3b: {  	_ =	swait.ge [sflag:s17], $0x4000  }
0x3c: {  	[sflag:s17] =	ssyncset.done $0x0  }
0x3d: {  	[sflag:s17] =	ssyncadd.s32 $0xFFFFC000  }
0x3e: {  	_ =	swait.ge [sflag:s17], $0x4000  }
0x3f: {  	[sflag:s17] =	ssyncset.done $0x0  }
0x40: {  	s0 =	simm.s32 $0x880;
	[sflag:s17] =	ssyncadd.s32 $0xFFFFC000  }
0x41: {  	s5 =	simm.s32 $0x4880;
	v10 =	vld [tilespmem:s0+$0x0]  }
0x42: {  	v11 =	vld [tilespmem:s5+$0x0]  }
0x43: {  	v12 =	vld [tilespmem:s0+$0x10]  }
0x44: {  	v13 =	vld [tilespmem:s5+$0x10]  }
0x45: {  	v14 =	vld [tilespmem:s0+$0x20]  }
0x46: {  	v15 =	vld [tilespmem:s5+$0x20]  }
0x47: {  	v16 =	vld [tilespmem:s0+$0x30]  }
0x48: {  	v17 =	vld [tilespmem:s5+$0x30]  }
0x49: {  	v18 =	vld [tilespmem:s0+$0x40]  }
0x4a: {  	v19 =	vld [tilespmem:s5+$0x40]  }
0x4b: {  	v20 =	vld [tilespmem:s0+$0x50]  }
0x4c: {  	v21 =	vld [tilespmem:s5+$0x50]  }
0x4d: {  	v22 =	vld [tilespmem:s0+$0x60]  }
0x4e: {  	v23 =	vld [tilespmem:s5+$0x60]  }
0x4f: {  	v24 =	vld [tilespmem:s0+$0x70]  }
0x50: {  	v25 =	vld [tilespmem:s5+$0x70]  }
0x51: {  	v26 =	vld [tilespmem:s5+$0xFFFFFF80]  }
0x52: {  	v27 =	vld [tilespmem:s0+$0xFFFFFF90]  }
0x53: {  	v42 =	vld [tilespmem:s5+$0xFFFFFFC0]  }
0x54: {  	s30 =	simm.s32 $0x4A80;
	v43 =	vld [tilespmem:s0+$0xFFFFFFD0];
	v10 =	vmul.f32 v11, v10;
	v11 =	vmul.f32 v13, v12  }
0x55: {  	v54 =	vld [tilespmem:s30+$0x20];
	v13 =	vmul.f32 v15, v14;
	v14 =	vmul.f32 v17, v16  }
0x56: {  	v12 =	vld [tilespmem:s5+$0xFFFFFF90];
	v16 =	vmul.f32 v19, v18;
	v17 =	vmul.f32 v21, v20  }
0x57: {  	v15 =	vld [tilespmem:s0+$0xFFFFFFA0];
	v19 =	vmul.f32 v23, v22;
	v20 =	vmul.f32 v25, v24  }
0x58: {  	v18 =	vld [tilespmem:s5+$0xFFFFFFA0];
	v10 =	vmul.f32 v10, v2;
	v11 =	vmul.f32 v11, v6  }
0x59: {  	v21 =	vld [tilespmem:s0+$0xFFFFFFB0];
	v13 =	vmul.f32 v13, v7;
	v14 =	vmul.f32 v14, v8  }
0x5a: {  	v22 =	vld [tilespmem:s5+$0xFFFFFFB0];
	v16 =	vmul.f32 v16, v9;
	v17 =	vmul.f32 v17, v3  }
0x5b: {  	v23 =	vld [tilespmem:s0+$0xFFFFFFC0];
	v19 =	vmul.f32 v19, v4;
	v20 =	vmul.f32 v20, v5  }
0x5c: {  	v10 =	vadd.f32 v11, v10;
	v11 =	vadd.f32 v14, v13;
	v13 =	vld [tilespmem:s5+$0xFFFFFFD0]  }
0x5d: {  	v14 =	vadd.f32 v17, v16;
	v16 =	vadd.f32 v20, v19;
	v17 =	vld [tilespmem:s0+$0xFFFFFFE0]  }
0x5e: {  	v19 =	vld [tilespmem:s5+$0xFFFFFFE0]  }
0x5f: {  	v10 =	vadd.f32 v11, v10;
	v11 =	vadd.f32 v16, v14;
	v14 =	vld [tilespmem:s0+$0xFFFFFFF0]  }
0x60: {  	v16 =	vld [tilespmem:s5+$0xFFFFFFF0];
	s5 =	simm.s32 $0x4980  }
0x61: {  	v28 =	vld [tilespmem:s5+$0x0]  }
0x62: {  	v21 =	vmul.f32 v22, v21;
	v22 =	vld [tilespmem:s5+$0x20]  }
0x63: {  	v46 =	vld [tilespmem:s5+$0x40]  }
0x64: {  	v10 =	vadd.f32 v11, v10;
	v11 =	vld [tilespmem:s0+$0xFFFFFF80];
	s0 =	simm.s32 $0x980  }
0x65: {  	v12 =	vmul.f32 v12, v27;
	v15 =	vmul.f32 v18, v15;
	v20 =	vld [tilespmem:s0+$0x0]  }
0x66: {  	v18 =	vmul.f32 v42, v23;
	v44 =	vld [tilespmem:s0+$0x10]  }
0x67: {  	v12 =	vmul.f32 v12, v6;
	v15 =	vmul.f32 v15, v7;
	v23 =	vld [tilespmem:s0+$0x20];
	v10 =	vadd.f32 v10, v1  }
0x68: {  	v18 =	vmul.f32 v18, v9;
	v21 =	vmul.f32 v21, v8;
	v45 =	vld [tilespmem:s0+$0x30]  }
0x69: {  	v13 =	vmul.f32 v13, v43;
	v17 =	vmul.f32 v19, v17;
	v47 =	vld [tilespmem:s0+$0x50];
	(xrf2) =	vadd.scan.msk.f32 $0xffff, v10  }
0x6a: {  	v15 =	vadd.f32 v21, v15;
	v21 =	vld [tilespmem:s5+$0x70];
	v14 =	vmul.f32 v16, v14;
	v11 =	vmul.f32 v26, v11  }
0x6b: {  	v16 =	vld [tilespmem:s5+$0x30];
	v13 =	vmul.f32 v13, v3;
	v17 =	vmul.f32 v17, v4  }
0x6c: {  	v10 =	vld [tilespmem:s5+$0x10];
	v14 =	vmul.f32 v14, v5;
	v11 =	vmul.f32 v11, v2  }
0x6d: {  	v13 =	vadd.f32 v13, v18;
	v18 =	vld [tilespmem:s5+$0x60]  }
0x6e: {  	v14 =	vadd.f32 v14, v17;
	v17 =	vld [tilespmem:s5+$0x50];
	v11 =	vadd.f32 v12, v11  }
0x6f: {  	v20 =	vmul.f32 v28, v20;
	v22 =	vmul.f32 v22, v23;
	v12 =	vld [tilespmem:s0+$0x60]  }
0x70: {  	v16 =	vmul.f32 v16, v45;
	v13 =	vadd.f32 v14, v13;
	v11 =	vadd.f32 v15, v11;
	v15 =	vld [tilespmem:s0+$0x70]  }
0x71: {  	v19 =	vld [tilespmem:s0+$0x40];
	v20 =	vmul.f32 v20, v2;
	v10 =	vmul.f32 v10, v44  }
0x72: {  	v55 =	vld [tilespmem:s30+$0x40];
	v22 =	vmul.f32 v22, v7;
	v16 =	vmul.f32 v16, v8;
	v11 =	vadd.f32 v13, v11  }
0x73: {  	v30 =	vld [tilespmem:s30+$0x70];
	v10 =	vmul.f32 v10, v6;
	v17 =	vmul.f32 v17, v47;
	v14, _, _ =	vpop (xrf2)  }
0x74: {  	v50 =	vld [tilespmem:s5+$0xFFFFFFC0];
	v12 =	vmul.f32 v18, v12;
	v14 =	vsub.f32 $0.0e+00, v14;
	v11 =	vadd.f32 v11, v1  }
0x75: {  	v48 =	vld [tilespmem:s0+$0xFFFFFF90];
	v17 =	vmul.f32 v17, v3;
	v15 =	vmul.f32 v21, v15  }
0x76: {  	v49 =	vld [tilespmem:s0+$0xFFFFFFC0];
	v13 =	vmul.f32 $1.442695020e+00, v14;
	(xrf2) =	vadd.scan.msk.f32 $0xffff, v11;
	v11 =	vmul.f32 v46, v19  }
0x77: {  	v51 =	vld [tilespmem:s0+$0xFFFFFFD0];
	v12 =	vmul.f32 v12, v4;
	v15 =	vmul.f32 v15, v5  }
0x78: {  	v23 =	vld [tilespmem:s0+$0xFFFFFFA0];
	(erf) = vpow2.f32 v13;
	v11 =	vmul.f32 v11, v9  }
0x79: {  	v16 =	vadd.f32 v16, v22;
	v22 =	vld [tilespmem:s5+$0xFFFFFFF0];
	v10 =	vadd.f32 v10, v20  }
0x7a: {  	v20 =	vld [tilespmem:s5+$0xFFFFFFD0];
	v12 =	vadd.f32 v15, v12;
	v11 =	vadd.f32 v17, v11  }
0x7b: {  	v18 =	vld [tilespmem:s0+$0xFFFFFFB0]  }
0x7c: {  	v10 =	vadd.f32 v16, v10;
	v21 =	vld [tilespmem:s5+$0xFFFFFFB0];
	v11 =	vadd.f32 v12, v11  }
0x7d: {  	v19 =	vld [tilespmem:s5+$0xFFFFFFA0]  }
0x7e: {  	v13 =	vld [tilespmem:s5+$0xFFFFFF90];
	v10 =	vadd.f32 v11, v10  }
0x7f: {  	v14 =	vld [tilespmem:s5+$0xFFFFFF80]  }
0x80: {  	v15 =	vld [tilespmem:s0+$0xFFFFFFE0];
	v16, _, _ =	vpop (xrf2);
	v10 =	vadd.f32 v10, v1  }
0x81: {  	v24 =	vmul.f32 v50, v49;
	v11 =	vld [tilespmem:s0+$0xFFFFFF80];
	v52 =	vpop (erf);
	v16 =	vsub.f32 $0.0e+00, v16  }
0x82: {  	v17 =	vld [tilespmem:s5+$0xFFFFFFE0];
	v18 =	vmul.f32 v21, v18;
	v19 =	vmul.f32 v19, v23;
	v27 =	vadd.f32 $1.000000000e+00, v52;
	(xrf2) =	vadd.scan.msk.f32 $0xffff, v10  }
0x83: {  	v12 =	vld [tilespmem:s0+$0xFFFFFFF0];
	v13 =	vmul.f32 v13, v48;
	v16 =	vmul.f32 $1.442695020e+00, v16  }
0x84: {  	v58 =	vld [tilespmem:s30+$0xFFFFFFB0];
	v18 =	vmul.f32 v18, v8;
	(erf) = vrcp.f32 v27  }
0x85: {  	v60 =	vld [tilespmem:s30+$0xFFFFFFC0];
	s5 =	simm.s32 $0xA80;
	v10 =	vmul.f32 v13, v6;
	(erf) = vpow2.f32 v16  }
0x86: {  	v53 =	vld [tilespmem:s5+$0x0];
	v13 =	vmul.f32 v19, v7;
	v11 =	vmul.f32 v14, v11  }
0x87: {  	v20 =	vmul.f32 v20, v51;
	v21 =	vld [tilespmem:s5+$0x10];
	v15 =	vmul.f32 v17, v15  }
0x88: {  	v57 =	vld [tilespmem:s5+$0x60];
	v12 =	vmul.f32 v22, v12;
	v13 =	vadd.f32 v18, v13;
	v11 =	vmul.f32 v11, v2  }
0x89: {  	v24 =	vmul.f32 v24, v9;
	v20 =	vmul.f32 v20, v3;
	v29 =	vld [tilespmem:s5+$0x70]  }
0x8a: {  	v17 =	vld [tilespmem:s5+$0x30];
	v15 =	vmul.f32 v15, v4;
	v12 =	vmul.f32 v12, v5;
	v10 =	vadd.f32 v10, v11  }
0x8b: {  	v19 =	vld [tilespmem:s5+$0x20];
	v18 =	vadd.f32 v20, v24  }
0x8c: {  	v20 =	vld [tilespmem:s5+$0x50];
	v12 =	vadd.f32 v12, v15;
	v10 =	vadd.f32 v13, v10;
	v13, _, _ =	vpop (xrf2)  }
0x8d: {  	v16 =	vld [tilespmem:s30+$0x10];
	v56 =	vpop (erf)  }
0x8e: {  	v11 =	vld [tilespmem:s30+$0x50];
	v12 =	vadd.f32 v12, v18;
	v13 =	vsub.f32 $0.0e+00, v13;
	v15 =	vpop (erf)  }
0x8f: {  	v18 =	vld [tilespmem:s30+$0x60];
	v15 =	vadd.f32 $1.000000000e+00, v15  }
0x90: {  	v14 =	vld [tilespmem:s30+$0x30];
	v12 =	vadd.f32 v12, v10;
	v13 =	vmul.f32 $1.442695020e+00, v13  }
0x91: {  	v22 =	vld [tilespmem:s5+$0x40];
	v19 =	vmul.f32 v54, v19;
	(erf) = vrcp.f32 v15  }
0x92: {  	v23 =	vld [tilespmem:s30+$0x0];
	v16 =	vmul.f32 v16, v21;
	v12 =	vadd.f32 v12, v1;
	(erf) = vpow2.f32 v13  }
0x93: {  	v19 =	vmul.f32 v19, v7;
	v21 =	vld [tilespmem:s5+$0xFFFFFF90];
	v11 =	vmul.f32 v11, v20  }
0x94: {  	v20 =	vld [tilespmem:s30+$0xFFFFFFA0];
	v18 =	vmul.f32 v18, v57;
	v16 =	vmul.f32 v16, v6;
	(xrf2) =	vadd.scan.msk.f32 $0xffff, v12  }
0x95: {  	v11 =	vmul.f32 v11, v3;
	v12 =	vmul.f32 v14, v17;
	v14 =	vld [tilespmem:s5+$0xFFFFFFA0]  }
0x96: {  	v17 =	vmul.f32 v55, v22;
	v22 =	vmul.f32 v30, v29;
	v13 =	vld [tilespmem:s30+$0xFFFFFF90]  }
0x97: {  	v18 =	vmul.f32 v18, v4;
	v15 =	vmul.f32 v23, v53;
	v23 =	vld [tilespmem:s5+$0xFFFFFFB0]  }
0x98: {  	v62 =	vld [tilespmem:s30+$0xFFFFFFD0];
	v17 =	vmul.f32 v17, v9;
	v22 =	vmul.f32 v22, v5  }
0x99: {  	v59 =	vld [tilespmem:s5+$0xFFFFFFC0];
	v12 =	vmul.f32 v12, v8;
	v15 =	vmul.f32 v15, v2  }
0x9a: {  	v10 =	vld [tilespmem:s30+$0xFFFFFF80];
	v17 =	vadd.f32 v11, v17;
	v18 =	vadd.f32 v22, v18;
	v14 =	vmul.f32 v20, v14;
	v61 =	vpop (erf)  }
0x9b: {  	v15 =	vadd.f32 v16, v15;
	v16 =	vadd.f32 v12, v19;
	v13 =	vmul.f32 v13, v21;
	v21 =	vld [tilespmem:s5+$0xFFFFFFD0];
	v19 =	vpop (erf)  }
0x9c: {  	v12 =	vld [tilespmem:s5+$0xFFFFFFE0];
	v17 =	vadd.f32 v18, v17;
	v22 =	vmul.f32 v58, v23;
	v19 =	vadd.f32 $1.000000000e+00, v19  }
0x9d: {  	v23 =	vadd.f32 v16, v15;
	v11 =	vmul.f32 v13, v6;
	v13 =	vmul.f32 v14, v7;
	v14 =	vld [tilespmem:s30+$0xFFFFFFE0]  }
0x9e: {  	s31 =	simm.s32 $0x581;
	v63 =	vmul.f32 v60, v59;
	v15 =	vld [tilespmem:s5+$0xFFFFFFF0];
	v20, _, _ =	vpop (xrf2);
	(erf) = vrcp.f32 v19  }
0x9f: {  	[tilespmem:s31+$0x0] =	vst.msk vm0, v56;
	v16 =	vld [tilespmem:s30+$0xFFFFFFF0];
	v20 =	vsub.f32 $0.0e+00, v20;
	v19 =	vmul.f32 v22, v8;
	v22 =	vadd.f32 v17, v23  }
0xa0: {  	s0 =	simm.s32 $0x4;
	v18 =	vld [tilespmem:s5+$0xFFFFFF80];
	s5 =	simm.s32 $0xB80;
	[tilespmem:s31+$0xFFFFFFFF] =	vst.msk vm0, v61;
	v21 =	vmul.f32 v62, v21;
	v17 =	vmul.f32 v63, v9  }
.LBB2_2:
0xa1: {  	v23 =	vld [tilespmem:s5+$0x0];
	v13 =	vadd.f32 v19, v13;
	v19 =	vadd.f32 v22, v1;
	s30 =	sadd.s32 $0x100, s30;
	v20 =	vmul.f32 $1.442695020e+00, v20  }
0xa2: {  	v22 =	vld [tilespmem:s30+$0x0];
	v21 =	vmul.f32 v21, v3;
	v12 =	vmul.f32 v14, v12  }
0xa3: {  	v14 =	vld [tilespmem:s5+$0x10];
	(xrf2) =	vadd.scan.msk.f32 $0xffff, v19;
	(erf) = vpow2.f32 v20  }
0xa4: {  	v19 =	vld [tilespmem:s30+$0x10];
	v12 =	vmul.f32 v12, v4;
	v15 =	vmul.f32 v16, v15;
	v16 =	vadd.f32 v21, v17  }
0xa5: {  	v17 =	vld [tilespmem:s5+$0x20];
	v10 =	vmul.f32 v10, v18  }
0xa6: {  	v18 =	vld [tilespmem:s30+$0x20];
	v15 =	vmul.f32 v15, v5  }
0xa7: {  	s31 =	sadd.s32 $0x2, s31;
	v20 =	vld [tilespmem:s5+$0x30];
	v10 =	vmul.f32 v10, v2;
	v21 =	vpop (erf)  }
0xa8: {  	v24 =	vld [tilespmem:s30+$0x30];
	v12 =	vadd.f32 v15, v12;
	[tilespmem:s31+$0x0] =	vst.msk vm0, v21  }
0xa9: {  	v15 =	vld [tilespmem:s5+$0x40];
	v10 =	vadd.f32 v11, v10  }
0xaa: {  	v11 =	vld [tilespmem:s30+$0x40];
	v26 =	vadd.f32 v12, v16  }
0xab: {  	v16 =	vld [tilespmem:s5+$0x50];
	v10 =	vadd.f32 v13, v10  }
0xac: {  	v13 =	vld [tilespmem:s30+$0x50];
	v21 =	vpop (erf)  }
0xad: {  	v25 =	vld [tilespmem:s5+$0x60];
	v10 =	vadd.f32 v26, v10;
	v12, _, _ =	vpop (xrf2);
	v21 =	vadd.f32 $1.000000000e+00, v21  }
0xae: {  	v26 =	vld [tilespmem:s30+$0x60];
	v12 =	vsub.f32 $0.0e+00, v12  }
0xaf: {  	v27 =	vld [tilespmem:s5+$0x70];
	v28 =	vadd.f32 v10, v1;
	(erf) = vrcp.f32 v21  }
0xb0: {  	v21 =	vld [tilespmem:s30+$0x70];
	v12 =	vmul.f32 $1.442695020e+00, v12  }
0xb1: {  	v22 =	vmul.f32 v22, v23;
	v10 =	vld [tilespmem:s30+$0xFFFFFF80]  }
0xb2: {  	s0 =	sadd.s32 $0x2, s0;
	v14 =	vmul.f32 v19, v14;
	v23 =	vld [tilespmem:s5+$0xFFFFFF90];
	(xrf2) =	vadd.scan.msk.f32 $0xffff, v28;
	(erf) = vpow2.f32 v12  }
0xb3: {  	p0 =	slt.u32 s0, $0x7E;
	v17 =	vmul.f32 v18, v17;
	v18 =	vmul.f32 v24, v20;
	v12 =	vld [tilespmem:s30+$0xFFFFFF90]  }
0xb4: {  	v11 =	vmul.f32 v11, v15;
	v13 =	vmul.f32 v13, v16;
	v19 =	vld [tilespmem:s5+$0xFFFFFFA0]  }
0xb5: {  	v16 =	vmul.f32 v26, v25;
	v15 =	vld [tilespmem:s30+$0xFFFFFFA0];
	v20 =	vmul.f32 v21, v27  }
0xb6: {  	v22 =	vmul.f32 v22, v2;
	v14 =	vmul.f32 v14, v6;
	v21 =	vld [tilespmem:s5+$0xFFFFFFB0]  }
0xb7: {  	v17 =	vmul.f32 v17, v7;
	v18 =	vmul.f32 v18, v8;
	v24 =	vld [tilespmem:s30+$0xFFFFFFB0]  }
0xb8: {  	v11 =	vmul.f32 v11, v9;
	v28 =	vmul.f32 v13, v3;
	v25 =	vld [tilespmem:s5+$0xFFFFFFC0];
	v26 =	vpop (erf)  }
0xb9: {  	v16 =	vmul.f32 v16, v4;
	v29 =	vmul.f32 v20, v5;
	v27 =	vld [tilespmem:s30+$0xFFFFFFC0];
	[tilespmem:s31+$0xFFFFFFFF] =	vst.msk vm0, v26  }
0xba: {  	v22 =	vadd.f32 v14, v22;
	v17 =	vadd.f32 v18, v17;
	v12 =	vmul.f32 v12, v23;
	v23 =	vld [tilespmem:s5+$0xFFFFFFD0]  }
0xbb: {  	v16 =	vadd.f32 v29, v16;
	v14 =	vmul.f32 v15, v19;
	v15 =	vadd.f32 v28, v11;
	v26 =	vld [tilespmem:s30+$0xFFFFFFD0];
	v13 =	vpop (erf)  }
.Ltmp0:
0xbc: {  	v11 =	vmul.f32 v12, v6;
	v18 =	vmul.f32 v24, v21;
	v12 =	vld [tilespmem:s5+$0xFFFFFFE0];
	v19 =	vadd.f32 $1.000000000e+00, v13;
	v20, _, _ =	vpop (xrf2);
	(pc) =	sbr.rel @p0 .LBB2_2-.Ltmp0, $4  }
0xbd: {  	v17 =	vadd.f32 v17, v22;
	v13 =	vmul.f32 v14, v7;
	v21 =	vadd.f32 v16, v15;
	v14 =	vld [tilespmem:s30+$0xFFFFFFE0]  }
0xbe: {  	v20 =	vsub.f32 $0.0e+00, v20;
	v24 =	vmul.f32 v27, v25;
	v15 =	vld [tilespmem:s5+$0xFFFFFFF0];
	(erf) = vrcp.f32 v19  }
0xbf: {  	v19 =	vmul.f32 v18, v8;
	v22 =	vadd.f32 v21, v17;
	v16 =	vld [tilespmem:s30+$0xFFFFFFF0]  }
0xc0: {  	v18 =	vld [tilespmem:s5+$0xFFFFFF80];
	v17 =	vmul.f32 v24, v9;
	v21 =	vmul.f32 v26, v23;
	s5 =	sadd.s32 $0x100, s5  }
0xc1: {  	_ = 	snop  }
0xc2: {  	v22 =	vadd.f32 v22, v1;
	v20 =	vmul.f32 $1.442695020e+00, v20  }
0xc3: {  	v12 =	vmul.f32 v14, v12  }
0xc4: {  	(xrf2) =	vadd.scan.msk.f32 $0xffff, v22;
	(erf) = vpow2.f32 v20;
	v14 =	vmul.f32 v16, v15  }
0xc5: {  	v15 =	vmul.f32 v21, v3;
	v10 =	vmul.f32 v10, v18  }
0xc6: {  	v12 =	vmul.f32 v12, v4;
	v14 =	vmul.f32 v14, v5  }
0xc7: {  	v10 =	vmul.f32 v10, v2  }
0xc8: {  	v15 =	vadd.f32 v15, v17;
	v12 =	vadd.f32 v14, v12  }
0xc9: {  	v13 =	vadd.f32 v19, v13;
	v10 =	vadd.f32 v11, v10  }
0xca: {  	v11 =	vadd.f32 v12, v15  }
0xcb: {  	v10 =	vadd.f32 v13, v10  }
0xcc: {  	v12 =	vpop (erf)  }
0xcd: {  	v13 =	vpop (erf);
	v10 =	vadd.f32 v11, v10  }
0xce: {  	v11, _, _ =	vpop (xrf2);
	v13 =	vadd.f32 $1.000000000e+00, v13  }
0xcf: {  	v11 =	vsub.f32 $0.0e+00, v11;
	v10 =	vadd.f32 v10, v1;
	_ =	sdelay $0x1  }
0xd0: {  	(erf) = vrcp.f32 v13;
	v11 =	vmul.f32 $1.442695020e+00, v11;
	(xrf2) =	vadd.scan.msk.f32 $0xffff, v10;
	_ =	sdelay $0x1  }
0xd1: {  	(erf) = vpow2.f32 v11;
	_ =	sdelay $0x6  }
0xd2: {  	v10 =	vpop (erf)  }
0xd3: {  	v11, _, _ =	vpop (xrf2)  }
0xd4: {  	v13 =	vpop (erf);
	v11 =	vsub.f32 $0.0e+00, v11  }
0xd5: {  	v13 =	vadd.f32 $1.000000000e+00, v13  }
0xd6: {  	v11 =	vmul.f32 $1.442695020e+00, v11  }
0xd7: {  	(erf) = vrcp.f32 v13  }
0xd8: {  	(erf) = vpow2.f32 v11;
	_ =	sdelay $0x7  }
0xd9: {  	v11 =	vpop (erf)  }
0xda: {  	v13 =	vpop (erf)  }
0xdb: {  	v13 =	vadd.f32 $1.000000000e+00, v13;
	_ =	sdelay $0x1  }
0xdc: {  	(erf) = vrcp.f32 v13;
	_ =	sdelay $0x5  }
0xdd: {  	s0 =	sadd.s32 $0x2, s31  }
0xde: {  	[tilespmem:s0+$0x0] =	vst.msk vm0, v12  }
0xdf: {  	[tilespmem:s0+$0xFFFFFFFF] =	vst.msk vm0, v10;
	s0 =	sadd.s32 $0x2, s0  }
0xe0: {  	[tilespmem:s0+$0x0] =	vst.msk vm0, v11;
	v10 =	vpop (erf)  }
0xe1: {  	s5 =	simm.s32 $0x580;
	[tilespmem:s0+$0xFFFFFFFF] =	vst.msk vm0, v10  }
0xe2: {  	[hbm4b:s8+s6] =	stream.linear.scatter [tilespmem:s5], [sflag:$0x5], $0x80, $0x38;
	[tilespmem:$0x18800] =	vst v63  }
0xe3: {  	_ = 	snop  }
0xe4: {  	[tilespmem:s22], [sflag:$0x1] =	stream.indirect.gather [hbm4b:s2+s21], $0x80, s1, s21, $0xb8;
	[tilespmem:$0x18800] =	vst v63  }
0xe5: {  	_ = 	snop  }
0xe6: {  	[tilespmem:s23], [sflag:$0x1] =	stream.indirect.gather [hbm4b:s2+s21], $0x80, s3, s21, $0xb8;
	[tilespmem:$0x18800] =	vst v63  }
0xe7: {  	_ =	swait.ge [sflag:s4], $0x4000  }
0xe8: {  	[sflag:s4] =	ssyncset.done $0x0  }
0xe9: {  	[sflag:s4] =	ssyncadd.s32 $0xFFFFC000  }
0xea: {  	_ =	swait.ge [sflag:s4], $0x4000  }
0xeb: {  	[sflag:s4] =	ssyncset.done $0x0  }
0xec: {  	s0 =	simm.s32 $0x8880;
	[sflag:s4] =	ssyncadd.s32 $0xFFFFC000  }
0xed: {  	s5 =	simm.s32 $0xC880;
	v10 =	vld [tilespmem:s0+$0x0]  }
0xee: {  	v11 =	vld [tilespmem:s5+$0x0]  }
0xef: {  	v12 =	vld [tilespmem:s0+$0x10]  }
0xf0: {  	v13 =	vld [tilespmem:s5+$0x10]  }
0xf1: {  	v14 =	vld [tilespmem:s0+$0x20]  }
0xf2: {  	v15 =	vld [tilespmem:s5+$0x20]  }
0xf3: {  	v16 =	vld [tilespmem:s0+$0x30]  }
0xf4: {  	v17 =	vld [tilespmem:s5+$0x30]  }
0xf5: {  	v18 =	vld [tilespmem:s0+$0x40]  }
0xf6: {  	v19 =	vld [tilespmem:s5+$0x40]  }
0xf7: {  	v20 =	vld [tilespmem:s0+$0x50]  }
0xf8: {  	v21 =	vld [tilespmem:s5+$0x50]  }
0xf9: {  	v22 =	vld [tilespmem:s0+$0x60]  }
0xfa: {  	v23 =	vld [tilespmem:s5+$0x60]  }
0xfb: {  	v24 =	vld [tilespmem:s0+$0x70]  }
0xfc: {  	v25 =	vld [tilespmem:s5+$0x70]  }
0xfd: {  	v26 =	vld [tilespmem:s5+$0xFFFFFF80]  }
0xfe: {  	v27 =	vld [tilespmem:s0+$0xFFFFFF90]  }
0xff: {  	v42 =	vld [tilespmem:s5+$0xFFFFFFC0]  }
0x100: {  	s30 =	simm.s32 $0xCA80;
	v43 =	vld [tilespmem:s0+$0xFFFFFFD0];
	v10 =	vmul.f32 v11, v10;
	v11 =	vmul.f32 v13, v12  }
0x101: {  	v54 =	vld [tilespmem:s30+$0x20];
	v13 =	vmul.f32 v15, v14;
	v14 =	vmul.f32 v17, v16  }
0x102: {  	v12 =	vld [tilespmem:s5+$0xFFFFFF90];
	v16 =	vmul.f32 v19, v18;
	v17 =	vmul.f32 v21, v20  }
0x103: {  	v15 =	vld [tilespmem:s0+$0xFFFFFFA0];
	v19 =	vmul.f32 v23, v22;
	v20 =	vmul.f32 v25, v24  }
0x104: {  	v18 =	vld [tilespmem:s5+$0xFFFFFFA0];
	v10 =	vmul.f32 v10, v2;
	v11 =	vmul.f32 v11, v6  }
0x105: {  	v21 =	vld [tilespmem:s0+$0xFFFFFFB0];
	v13 =	vmul.f32 v13, v7;
	v14 =	vmul.f32 v14, v8  }
0x106: {  	v22 =	vld [tilespmem:s5+$0xFFFFFFB0];
	v16 =	vmul.f32 v16, v9;
	v17 =	vmul.f32 v17, v3  }
0x107: {  	v23 =	vld [tilespmem:s0+$0xFFFFFFC0];
	v19 =	vmul.f32 v19, v4;
	v20 =	vmul.f32 v20, v5  }
0x108: {  	v10 =	vadd.f32 v11, v10;
	v11 =	vadd.f32 v14, v13;
	v13 =	vld [tilespmem:s5+$0xFFFFFFD0]  }
0x109: {  	v14 =	vadd.f32 v17, v16;
	v16 =	vadd.f32 v20, v19;
	v17 =	vld [tilespmem:s0+$0xFFFFFFE0]  }
0x10a: {  	v19 =	vld [tilespmem:s5+$0xFFFFFFE0]  }
0x10b: {  	v10 =	vadd.f32 v11, v10;
	v11 =	vadd.f32 v16, v14;
	v14 =	vld [tilespmem:s0+$0xFFFFFFF0]  }
0x10c: {  	v16 =	vld [tilespmem:s5+$0xFFFFFFF0];
	s5 =	simm.s32 $0xC980  }
0x10d: {  	v28 =	vld [tilespmem:s5+$0x0]  }
0x10e: {  	v21 =	vmul.f32 v22, v21;
	v22 =	vld [tilespmem:s5+$0x20]  }
0x10f: {  	v46 =	vld [tilespmem:s5+$0x40]  }
0x110: {  	v10 =	vadd.f32 v11, v10;
	v11 =	vld [tilespmem:s0+$0xFFFFFF80];
	s0 =	simm.s32 $0x8980  }
0x111: {  	v12 =	vmul.f32 v12, v27;
	v15 =	vmul.f32 v18, v15;
	v20 =	vld [tilespmem:s0+$0x0]  }
0x112: {  	v18 =	vmul.f32 v42, v23;
	v44 =	vld [tilespmem:s0+$0x10]  }
0x113: {  	v12 =	vmul.f32 v12, v6;
	v15 =	vmul.f32 v15, v7;
	v23 =	vld [tilespmem:s0+$0x20];
	v10 =	vadd.f32 v10, v1  }
0x114: {  	v18 =	vmul.f32 v18, v9;
	v21 =	vmul.f32 v21, v8;
	v45 =	vld [tilespmem:s0+$0x30]  }
0x115: {  	v13 =	vmul.f32 v13, v43;
	v17 =	vmul.f32 v19, v17;
	v47 =	vld [tilespmem:s0+$0x50];
	(xrf2) =	vadd.scan.msk.f32 $0xffff, v10  }
0x116: {  	v15 =	vadd.f32 v21, v15;
	v21 =	vld [tilespmem:s5+$0x70];
	v14 =	vmul.f32 v16, v14;
	v11 =	vmul.f32 v26, v11  }
0x117: {  	v16 =	vld [tilespmem:s5+$0x30];
	v13 =	vmul.f32 v13, v3;
	v17 =	vmul.f32 v17, v4  }
0x118: {  	v10 =	vld [tilespmem:s5+$0x10];
	v14 =	vmul.f32 v14, v5;
	v11 =	vmul.f32 v11, v2  }
0x119: {  	v13 =	vadd.f32 v13, v18;
	v18 =	vld [tilespmem:s5+$0x60]  }
0x11a: {  	v14 =	vadd.f32 v14, v17;
	v17 =	vld [tilespmem:s5+$0x50];
	v11 =	vadd.f32 v12, v11  }
0x11b: {  	v20 =	vmul.f32 v28, v20;
	v22 =	vmul.f32 v22, v23;
	v12 =	vld [tilespmem:s0+$0x60]  }
0x11c: {  	v16 =	vmul.f32 v16, v45;
	v13 =	vadd.f32 v14, v13;
	v11 =	vadd.f32 v15, v11;
	v15 =	vld [tilespmem:s0+$0x70]  }
0x11d: {  	v19 =	vld [tilespmem:s0+$0x40];
	v20 =	vmul.f32 v20, v2;
	v10 =	vmul.f32 v10, v44  }
0x11e: {  	v55 =	vld [tilespmem:s30+$0x40];
	v22 =	vmul.f32 v22, v7;
	v16 =	vmul.f32 v16, v8;
	v11 =	vadd.f32 v13, v11  }
0x11f: {  	v30 =	vld [tilespmem:s30+$0x70];
	v10 =	vmul.f32 v10, v6;
	v17 =	vmul.f32 v17, v47;
	v14, _, _ =	vpop (xrf2)  }
0x120: {  	v50 =	vld [tilespmem:s5+$0xFFFFFFC0];
	v12 =	vmul.f32 v18, v12;
	v14 =	vsub.f32 $0.0e+00, v14;
	v11 =	vadd.f32 v11, v1  }
0x121: {  	v48 =	vld [tilespmem:s0+$0xFFFFFF90];
	v17 =	vmul.f32 v17, v3;
	v15 =	vmul.f32 v21, v15  }
0x122: {  	v49 =	vld [tilespmem:s0+$0xFFFFFFC0];
	v13 =	vmul.f32 $1.442695020e+00, v14;
	(xrf2) =	vadd.scan.msk.f32 $0xffff, v11;
	v11 =	vmul.f32 v46, v19  }
0x123: {  	v51 =	vld [tilespmem:s0+$0xFFFFFFD0];
	v12 =	vmul.f32 v12, v4;
	v15 =	vmul.f32 v15, v5  }
0x124: {  	v23 =	vld [tilespmem:s0+$0xFFFFFFA0];
	(erf) = vpow2.f32 v13;
	v11 =	vmul.f32 v11, v9  }
0x125: {  	v16 =	vadd.f32 v16, v22;
	v22 =	vld [tilespmem:s5+$0xFFFFFFF0];
	v10 =	vadd.f32 v10, v20  }
0x126: {  	v20 =	vld [tilespmem:s5+$0xFFFFFFD0];
	v12 =	vadd.f32 v15, v12;
	v11 =	vadd.f32 v17, v11  }
0x127: {  	v18 =	vld [tilespmem:s0+$0xFFFFFFB0]  }
0x128: {  	v10 =	vadd.f32 v16, v10;
	v21 =	vld [tilespmem:s5+$0xFFFFFFB0];
	v11 =	vadd.f32 v12, v11  }
0x129: {  	v19 =	vld [tilespmem:s5+$0xFFFFFFA0]  }
0x12a: {  	v13 =	vld [tilespmem:s5+$0xFFFFFF90];
	v10 =	vadd.f32 v11, v10  }
0x12b: {  	v14 =	vld [tilespmem:s5+$0xFFFFFF80]  }
0x12c: {  	v15 =	vld [tilespmem:s0+$0xFFFFFFE0];
	v16, _, _ =	vpop (xrf2);
	v10 =	vadd.f32 v10, v1  }
0x12d: {  	v24 =	vmul.f32 v50, v49;
	v11 =	vld [tilespmem:s0+$0xFFFFFF80];
	v52 =	vpop (erf);
	v16 =	vsub.f32 $0.0e+00, v16  }
0x12e: {  	v17 =	vld [tilespmem:s5+$0xFFFFFFE0];
	v18 =	vmul.f32 v21, v18;
	v19 =	vmul.f32 v19, v23;
	v27 =	vadd.f32 $1.000000000e+00, v52;
	(xrf2) =	vadd.scan.msk.f32 $0xffff, v10  }
0x12f: {  	v12 =	vld [tilespmem:s0+$0xFFFFFFF0];
	v13 =	vmul.f32 v13, v48;
	v16 =	vmul.f32 $1.442695020e+00, v16  }
0x130: {  	v58 =	vld [tilespmem:s30+$0xFFFFFFB0];
	v18 =	vmul.f32 v18, v8;
	(erf) = vrcp.f32 v27  }
0x131: {  	v60 =	vld [tilespmem:s30+$0xFFFFFFC0];
	s5 =	simm.s32 $0x8A80;
	v10 =	vmul.f32 v13, v6;
	(erf) = vpow2.f32 v16  }
0x132: {  	v53 =	vld [tilespmem:s5+$0x0];
	v13 =	vmul.f32 v19, v7;
	v11 =	vmul.f32 v14, v11  }
0x133: {  	v20 =	vmul.f32 v20, v51;
	v21 =	vld [tilespmem:s5+$0x10];
	v15 =	vmul.f32 v17, v15  }
0x134: {  	v57 =	vld [tilespmem:s5+$0x60];
	v12 =	vmul.f32 v22, v12;
	v13 =	vadd.f32 v18, v13;
	v11 =	vmul.f32 v11, v2  }
0x135: {  	v24 =	vmul.f32 v24, v9;
	v20 =	vmul.f32 v20, v3;
	v29 =	vld [tilespmem:s5+$0x70]  }
0x136: {  	v17 =	vld [tilespmem:s5+$0x30];
	v15 =	vmul.f32 v15, v4;
	v12 =	vmul.f32 v12, v5;
	v10 =	vadd.f32 v10, v11  }
0x137: {  	v19 =	vld [tilespmem:s5+$0x20];
	v18 =	vadd.f32 v20, v24  }
0x138: {  	v20 =	vld [tilespmem:s5+$0x50];
	v12 =	vadd.f32 v12, v15;
	v10 =	vadd.f32 v13, v10;
	v13, _, _ =	vpop (xrf2)  }
0x139: {  	v16 =	vld [tilespmem:s30+$0x10];
	v56 =	vpop (erf)  }
0x13a: {  	v11 =	vld [tilespmem:s30+$0x50];
	v12 =	vadd.f32 v12, v18;
	v13 =	vsub.f32 $0.0e+00, v13;
	v15 =	vpop (erf)  }
0x13b: {  	v18 =	vld [tilespmem:s30+$0x60];
	v15 =	vadd.f32 $1.000000000e+00, v15  }
0x13c: {  	v14 =	vld [tilespmem:s30+$0x30];
	v12 =	vadd.f32 v12, v10;
	v13 =	vmul.f32 $1.442695020e+00, v13  }
0x13d: {  	v22 =	vld [tilespmem:s5+$0x40];
	v19 =	vmul.f32 v54, v19;
	(erf) = vrcp.f32 v15  }
0x13e: {  	v23 =	vld [tilespmem:s30+$0x0];
	v16 =	vmul.f32 v16, v21;
	v12 =	vadd.f32 v12, v1;
	(erf) = vpow2.f32 v13  }
0x13f: {  	v19 =	vmul.f32 v19, v7;
	v21 =	vld [tilespmem:s5+$0xFFFFFF90];
	v11 =	vmul.f32 v11, v20  }
0x140: {  	v20 =	vld [tilespmem:s30+$0xFFFFFFA0];
	v18 =	vmul.f32 v18, v57;
	v16 =	vmul.f32 v16, v6;
	(xrf2) =	vadd.scan.msk.f32 $0xffff, v12  }
0x141: {  	v11 =	vmul.f32 v11, v3;
	v12 =	vmul.f32 v14, v17;
	v14 =	vld [tilespmem:s5+$0xFFFFFFA0]  }
0x142: {  	v17 =	vmul.f32 v55, v22;
	v22 =	vmul.f32 v30, v29;
	v13 =	vld [tilespmem:s30+$0xFFFFFF90]  }
0x143: {  	v18 =	vmul.f32 v18, v4;
	v15 =	vmul.f32 v23, v53;
	v23 =	vld [tilespmem:s5+$0xFFFFFFB0]  }
0x144: {  	v62 =	vld [tilespmem:s30+$0xFFFFFFD0];
	v17 =	vmul.f32 v17, v9;
	v22 =	vmul.f32 v22, v5  }
0x145: {  	v59 =	vld [tilespmem:s5+$0xFFFFFFC0];
	v12 =	vmul.f32 v12, v8;
	v15 =	vmul.f32 v15, v2  }
0x146: {  	v10 =	vld [tilespmem:s30+$0xFFFFFF80];
	v17 =	vadd.f32 v11, v17;
	v18 =	vadd.f32 v22, v18;
	v14 =	vmul.f32 v20, v14;
	v61 =	vpop (erf)  }
0x147: {  	v15 =	vadd.f32 v16, v15;
	v16 =	vadd.f32 v12, v19;
	v13 =	vmul.f32 v13, v21;
	v21 =	vld [tilespmem:s5+$0xFFFFFFD0];
	v19 =	vpop (erf)  }
0x148: {  	v12 =	vld [tilespmem:s5+$0xFFFFFFE0];
	v17 =	vadd.f32 v18, v17;
	v22 =	vmul.f32 v58, v23;
	v19 =	vadd.f32 $1.000000000e+00, v19  }
0x149: {  	v23 =	vadd.f32 v16, v15;
	v11 =	vmul.f32 v13, v6;
	v13 =	vmul.f32 v14, v7;
	v14 =	vld [tilespmem:s30+$0xFFFFFFE0]  }
0x14a: {  	s31 =	simm.s32 $0x601;
	v63 =	vmul.f32 v60, v59;
	v15 =	vld [tilespmem:s5+$0xFFFFFFF0];
	v20, _, _ =	vpop (xrf2);
	(erf) = vrcp.f32 v19  }
0x14b: {  	[tilespmem:s31+$0x0] =	vst.msk vm0, v56;
	v16 =	vld [tilespmem:s30+$0xFFFFFFF0];
	v20 =	vsub.f32 $0.0e+00, v20;
	v19 =	vmul.f32 v22, v8;
	v22 =	vadd.f32 v17, v23  }
0x14c: {  	s0 =	simm.s32 $0x4;
	v18 =	vld [tilespmem:s5+$0xFFFFFF80];
	s5 =	simm.s32 $0x8B80;
	[tilespmem:s31+$0xFFFFFFFF] =	vst.msk vm0, v61;
	v21 =	vmul.f32 v62, v21;
	v17 =	vmul.f32 v63, v9  }
.LBB2_4:
0x14d: {  	v23 =	vld [tilespmem:s5+$0x0];
	v13 =	vadd.f32 v19, v13;
	v19 =	vadd.f32 v22, v1;
	s30 =	sadd.s32 $0x100, s30;
	v20 =	vmul.f32 $1.442695020e+00, v20  }
0x14e: {  	v22 =	vld [tilespmem:s30+$0x0];
	v21 =	vmul.f32 v21, v3;
	v12 =	vmul.f32 v14, v12  }
0x14f: {  	v14 =	vld [tilespmem:s5+$0x10];
	(xrf2) =	vadd.scan.msk.f32 $0xffff, v19;
	(erf) = vpow2.f32 v20  }
0x150: {  	v19 =	vld [tilespmem:s30+$0x10];
	v12 =	vmul.f32 v12, v4;
	v15 =	vmul.f32 v16, v15;
	v16 =	vadd.f32 v21, v17  }
0x151: {  	v17 =	vld [tilespmem:s5+$0x20];
	v10 =	vmul.f32 v10, v18  }
0x152: {  	v18 =	vld [tilespmem:s30+$0x20];
	v15 =	vmul.f32 v15, v5  }
0x153: {  	s31 =	sadd.s32 $0x2, s31;
	v20 =	vld [tilespmem:s5+$0x30];
	v10 =	vmul.f32 v10, v2;
	v21 =	vpop (erf)  }
0x154: {  	v24 =	vld [tilespmem:s30+$0x30];
	v12 =	vadd.f32 v15, v12;
	[tilespmem:s31+$0x0] =	vst.msk vm0, v21  }
0x155: {  	v15 =	vld [tilespmem:s5+$0x40];
	v10 =	vadd.f32 v11, v10  }
0x156: {  	v11 =	vld [tilespmem:s30+$0x40];
	v26 =	vadd.f32 v12, v16  }
0x157: {  	v16 =	vld [tilespmem:s5+$0x50];
	v10 =	vadd.f32 v13, v10  }
0x158: {  	v13 =	vld [tilespmem:s30+$0x50];
	v21 =	vpop (erf)  }
0x159: {  	v25 =	vld [tilespmem:s5+$0x60];
	v10 =	vadd.f32 v26, v10;
	v12, _, _ =	vpop (xrf2);
	v21 =	vadd.f32 $1.000000000e+00, v21  }
0x15a: {  	v26 =	vld [tilespmem:s30+$0x60];
	v12 =	vsub.f32 $0.0e+00, v12  }
0x15b: {  	v27 =	vld [tilespmem:s5+$0x70];
	v28 =	vadd.f32 v10, v1;
	(erf) = vrcp.f32 v21  }
0x15c: {  	v21 =	vld [tilespmem:s30+$0x70];
	v12 =	vmul.f32 $1.442695020e+00, v12  }
0x15d: {  	v22 =	vmul.f32 v22, v23;
	v10 =	vld [tilespmem:s30+$0xFFFFFF80]  }
0x15e: {  	s0 =	sadd.s32 $0x2, s0;
	v14 =	vmul.f32 v19, v14;
	v23 =	vld [tilespmem:s5+$0xFFFFFF90];
	(xrf2) =	vadd.scan.msk.f32 $0xffff, v28;
	(erf) = vpow2.f32 v12  }
0x15f: {  	p0 =	slt.u32 s0, $0x7E;
	v17 =	vmul.f32 v18, v17;
	v18 =	vmul.f32 v24, v20;
	v12 =	vld [tilespmem:s30+$0xFFFFFF90]  }
0x160: {  	v11 =	vmul.f32 v11, v15;
	v13 =	vmul.f32 v13, v16;
	v19 =	vld [tilespmem:s5+$0xFFFFFFA0]  }
0x161: {  	v16 =	vmul.f32 v26, v25;
	v15 =	vld [tilespmem:s30+$0xFFFFFFA0];
	v20 =	vmul.f32 v21, v27  }
0x162: {  	v22 =	vmul.f32 v22, v2;
	v14 =	vmul.f32 v14, v6;
	v21 =	vld [tilespmem:s5+$0xFFFFFFB0]  }
0x163: {  	v17 =	vmul.f32 v17, v7;
	v18 =	vmul.f32 v18, v8;
	v24 =	vld [tilespmem:s30+$0xFFFFFFB0]  }
0x164: {  	v11 =	vmul.f32 v11, v9;
	v28 =	vmul.f32 v13, v3;
	v25 =	vld [tilespmem:s5+$0xFFFFFFC0];
	v26 =	vpop (erf)  }
0x165: {  	v16 =	vmul.f32 v16, v4;
	v29 =	vmul.f32 v20, v5;
	v27 =	vld [tilespmem:s30+$0xFFFFFFC0];
	[tilespmem:s31+$0xFFFFFFFF] =	vst.msk vm0, v26  }
0x166: {  	v22 =	vadd.f32 v14, v22;
	v17 =	vadd.f32 v18, v17;
	v12 =	vmul.f32 v12, v23;
	v23 =	vld [tilespmem:s5+$0xFFFFFFD0]  }
0x167: {  	v16 =	vadd.f32 v29, v16;
	v14 =	vmul.f32 v15, v19;
	v15 =	vadd.f32 v28, v11;
	v26 =	vld [tilespmem:s30+$0xFFFFFFD0];
	v13 =	vpop (erf)  }
.Ltmp1:
0x168: {  	v11 =	vmul.f32 v12, v6;
	v18 =	vmul.f32 v24, v21;
	v12 =	vld [tilespmem:s5+$0xFFFFFFE0];
	v19 =	vadd.f32 $1.000000000e+00, v13;
	v20, _, _ =	vpop (xrf2);
	(pc) =	sbr.rel @p0 .LBB2_4-.Ltmp1, $4  }
0x169: {  	v17 =	vadd.f32 v17, v22;
	v13 =	vmul.f32 v14, v7;
	v21 =	vadd.f32 v16, v15;
	v14 =	vld [tilespmem:s30+$0xFFFFFFE0]  }
0x16a: {  	v20 =	vsub.f32 $0.0e+00, v20;
	v24 =	vmul.f32 v27, v25;
	v15 =	vld [tilespmem:s5+$0xFFFFFFF0];
	(erf) = vrcp.f32 v19  }
0x16b: {  	v19 =	vmul.f32 v18, v8;
	v22 =	vadd.f32 v21, v17;
	v16 =	vld [tilespmem:s30+$0xFFFFFFF0]  }
0x16c: {  	v18 =	vld [tilespmem:s5+$0xFFFFFF80];
	v17 =	vmul.f32 v24, v9;
	v21 =	vmul.f32 v26, v23;
	s5 =	sadd.s32 $0x100, s5  }
0x16d: {  	_ = 	snop  }
0x16e: {  	v22 =	vadd.f32 v22, v1;
	v20 =	vmul.f32 $1.442695020e+00, v20  }
0x16f: {  	v12 =	vmul.f32 v14, v12  }
0x170: {  	(xrf2) =	vadd.scan.msk.f32 $0xffff, v22;
	(erf) = vpow2.f32 v20;
	v14 =	vmul.f32 v16, v15  }
0x171: {  	v15 =	vmul.f32 v21, v3;
	v10 =	vmul.f32 v10, v18  }
0x172: {  	v12 =	vmul.f32 v12, v4;
	v14 =	vmul.f32 v14, v5  }
0x173: {  	v10 =	vmul.f32 v10, v2  }
0x174: {  	v15 =	vadd.f32 v15, v17;
	v12 =	vadd.f32 v14, v12  }
0x175: {  	v13 =	vadd.f32 v19, v13;
	v10 =	vadd.f32 v11, v10  }
0x176: {  	v11 =	vadd.f32 v12, v15  }
0x177: {  	v10 =	vadd.f32 v13, v10  }
0x178: {  	v12 =	vpop (erf)  }
0x179: {  	v13 =	vpop (erf);
	v10 =	vadd.f32 v11, v10  }
0x17a: {  	v11, _, _ =	vpop (xrf2);
	v13 =	vadd.f32 $1.000000000e+00, v13  }
0x17b: {  	v11 =	vsub.f32 $0.0e+00, v11;
	v10 =	vadd.f32 v10, v1;
	_ =	sdelay $0x1  }
0x17c: {  	(erf) = vrcp.f32 v13;
	v11 =	vmul.f32 $1.442695020e+00, v11;
	(xrf2) =	vadd.scan.msk.f32 $0xffff, v10;
	_ =	sdelay $0x1  }
0x17d: {  	(erf) = vpow2.f32 v11;
	_ =	sdelay $0x6  }
0x17e: {  	v10 =	vpop (erf)  }
0x17f: {  	v11, _, _ =	vpop (xrf2)  }
0x180: {  	v13 =	vpop (erf);
	v11 =	vsub.f32 $0.0e+00, v11  }
0x181: {  	v13 =	vadd.f32 $1.000000000e+00, v13  }
0x182: {  	v11 =	vmul.f32 $1.442695020e+00, v11  }
0x183: {  	(erf) = vrcp.f32 v13  }
0x184: {  	(erf) = vpow2.f32 v11;
	_ =	sdelay $0x7  }
0x185: {  	v11 =	vpop (erf)  }
0x186: {  	v13 =	vpop (erf)  }
0x187: {  	v13 =	vadd.f32 $1.000000000e+00, v13;
	_ =	sdelay $0x1  }
0x188: {  	(erf) = vrcp.f32 v13;
	_ =	sdelay $0x5  }
0x189: {  	s0 =	sadd.s32 $0x2, s31  }
0x18a: {  	[tilespmem:s0+$0x0] =	vst.msk vm0, v12  }
0x18b: {  	[tilespmem:s0+$0xFFFFFFFF] =	vst.msk vm0, v10;
	s0 =	sadd.s32 $0x2, s0  }
0x18c: {  	[tilespmem:s0+$0x0] =	vst.msk vm0, v11;
	v10 =	vpop (erf)  }
0x18d: {  	[tilespmem:s0+$0xFFFFFFFF] =	vst.msk vm0, v10  }
0x18e: {  	[hbm4b:s10+s6] =	stream.linear.scatter [tilespmem:s18], [sflag:$0x5], $0x80, $0x38;
	[tilespmem:$0x18800] =	vst v63  }
0x18f: {  	_ =	swait.ge [sflag:s19], $0x4000  }
0x190: {  	[sflag:s19] =	ssyncset.done $0x0  }
0x191: {  	[sflag:s19] =	ssyncadd.s32 $0xFFFFC000  }
0x192: {  	_ =	swait.ge [sflag:s19], $0x4000  }
0x193: {  	[sflag:s19] =	ssyncset.done $0x0  }
0x194: {  	s0 =	simm.s32 $0x10880;
	[sflag:s19] =	ssyncadd.s32 $0xFFFFC000  }
0x195: {  	s5 =	simm.s32 $0x14880;
	v10 =	vld [tilespmem:s0+$0x0]  }
0x196: {  	v11 =	vld [tilespmem:s5+$0x0]  }
0x197: {  	v12 =	vld [tilespmem:s0+$0x10]  }
0x198: {  	v13 =	vld [tilespmem:s5+$0x10]  }
0x199: {  	v14 =	vld [tilespmem:s0+$0x20]  }
0x19a: {  	v15 =	vld [tilespmem:s5+$0x20]  }
0x19b: {  	v16 =	vld [tilespmem:s0+$0x30]  }
0x19c: {  	v17 =	vld [tilespmem:s5+$0x30]  }
0x19d: {  	v18 =	vld [tilespmem:s0+$0x40]  }
0x19e: {  	v19 =	vld [tilespmem:s5+$0x40]  }
0x19f: {  	v20 =	vld [tilespmem:s0+$0x50]  }
0x1a0: {  	v21 =	vld [tilespmem:s5+$0x50]  }
0x1a1: {  	v22 =	vld [tilespmem:s0+$0x60]  }
0x1a2: {  	v23 =	vld [tilespmem:s5+$0x60]  }
0x1a3: {  	v24 =	vld [tilespmem:s0+$0x70]  }
0x1a4: {  	v25 =	vld [tilespmem:s5+$0x70]  }
0x1a5: {  	v26 =	vld [tilespmem:s5+$0xFFFFFF80]  }
0x1a6: {  	v27 =	vld [tilespmem:s0+$0xFFFFFF90]  }
0x1a7: {  	v42 =	vld [tilespmem:s5+$0xFFFFFFC0]  }
0x1a8: {  	s30 =	simm.s32 $0x14A80;
	v43 =	vld [tilespmem:s0+$0xFFFFFFD0];
	v10 =	vmul.f32 v11, v10;
	v11 =	vmul.f32 v13, v12  }
0x1a9: {  	v54 =	vld [tilespmem:s30+$0x20];
	v13 =	vmul.f32 v15, v14;
	v14 =	vmul.f32 v17, v16  }
0x1aa: {  	v12 =	vld [tilespmem:s5+$0xFFFFFF90];
	v16 =	vmul.f32 v19, v18;
	v17 =	vmul.f32 v21, v20  }
0x1ab: {  	v15 =	vld [tilespmem:s0+$0xFFFFFFA0];
	v19 =	vmul.f32 v23, v22;
	v20 =	vmul.f32 v25, v24  }
0x1ac: {  	v18 =	vld [tilespmem:s5+$0xFFFFFFA0];
	v10 =	vmul.f32 v10, v2;
	v11 =	vmul.f32 v11, v6  }
0x1ad: {  	v21 =	vld [tilespmem:s0+$0xFFFFFFB0];
	v13 =	vmul.f32 v13, v7;
	v14 =	vmul.f32 v14, v8  }
0x1ae: {  	v22 =	vld [tilespmem:s5+$0xFFFFFFB0];
	v16 =	vmul.f32 v16, v9;
	v17 =	vmul.f32 v17, v3  }
0x1af: {  	v23 =	vld [tilespmem:s0+$0xFFFFFFC0];
	v19 =	vmul.f32 v19, v4;
	v20 =	vmul.f32 v20, v5  }
0x1b0: {  	v10 =	vadd.f32 v11, v10;
	v11 =	vadd.f32 v14, v13;
	v13 =	vld [tilespmem:s5+$0xFFFFFFD0]  }
0x1b1: {  	v14 =	vadd.f32 v17, v16;
	v16 =	vadd.f32 v20, v19;
	v17 =	vld [tilespmem:s0+$0xFFFFFFE0]  }
0x1b2: {  	v19 =	vld [tilespmem:s5+$0xFFFFFFE0]  }
0x1b3: {  	v10 =	vadd.f32 v11, v10;
	v11 =	vadd.f32 v16, v14;
	v14 =	vld [tilespmem:s0+$0xFFFFFFF0]  }
0x1b4: {  	v16 =	vld [tilespmem:s5+$0xFFFFFFF0];
	s5 =	simm.s32 $0x14980  }
0x1b5: {  	v28 =	vld [tilespmem:s5+$0x0]  }
0x1b6: {  	v21 =	vmul.f32 v22, v21;
	v22 =	vld [tilespmem:s5+$0x20]  }
0x1b7: {  	v46 =	vld [tilespmem:s5+$0x40]  }
0x1b8: {  	v10 =	vadd.f32 v11, v10;
	v11 =	vld [tilespmem:s0+$0xFFFFFF80];
	s0 =	simm.s32 $0x10980  }
0x1b9: {  	v12 =	vmul.f32 v12, v27;
	v15 =	vmul.f32 v18, v15;
	v20 =	vld [tilespmem:s0+$0x0]  }
0x1ba: {  	v18 =	vmul.f32 v42, v23;
	v44 =	vld [tilespmem:s0+$0x10]  }
0x1bb: {  	v12 =	vmul.f32 v12, v6;
	v15 =	vmul.f32 v15, v7;
	v23 =	vld [tilespmem:s0+$0x20];
	v10 =	vadd.f32 v10, v1  }
0x1bc: {  	v18 =	vmul.f32 v18, v9;
	v21 =	vmul.f32 v21, v8;
	v45 =	vld [tilespmem:s0+$0x30]  }
0x1bd: {  	v13 =	vmul.f32 v13, v43;
	v17 =	vmul.f32 v19, v17;
	v47 =	vld [tilespmem:s0+$0x50];
	(xrf2) =	vadd.scan.msk.f32 $0xffff, v10  }
0x1be: {  	v15 =	vadd.f32 v21, v15;
	v21 =	vld [tilespmem:s5+$0x70];
	v14 =	vmul.f32 v16, v14;
	v11 =	vmul.f32 v26, v11  }
0x1bf: {  	v16 =	vld [tilespmem:s5+$0x30];
	v13 =	vmul.f32 v13, v3;
	v17 =	vmul.f32 v17, v4  }
0x1c0: {  	v10 =	vld [tilespmem:s5+$0x10];
	v14 =	vmul.f32 v14, v5;
	v11 =	vmul.f32 v11, v2  }
0x1c1: {  	v13 =	vadd.f32 v13, v18;
	v18 =	vld [tilespmem:s5+$0x60]  }
0x1c2: {  	v14 =	vadd.f32 v14, v17;
	v17 =	vld [tilespmem:s5+$0x50];
	v11 =	vadd.f32 v12, v11  }
0x1c3: {  	v20 =	vmul.f32 v28, v20;
	v22 =	vmul.f32 v22, v23;
	v12 =	vld [tilespmem:s0+$0x60]  }
0x1c4: {  	v16 =	vmul.f32 v16, v45;
	v13 =	vadd.f32 v14, v13;
	v11 =	vadd.f32 v15, v11;
	v15 =	vld [tilespmem:s0+$0x70]  }
0x1c5: {  	v19 =	vld [tilespmem:s0+$0x40];
	v20 =	vmul.f32 v20, v2;
	v10 =	vmul.f32 v10, v44  }
0x1c6: {  	v55 =	vld [tilespmem:s30+$0x40];
	v22 =	vmul.f32 v22, v7;
	v16 =	vmul.f32 v16, v8;
	v11 =	vadd.f32 v13, v11  }
0x1c7: {  	v30 =	vld [tilespmem:s30+$0x70];
	v10 =	vmul.f32 v10, v6;
	v17 =	vmul.f32 v17, v47;
	v14, _, _ =	vpop (xrf2)  }
0x1c8: {  	v50 =	vld [tilespmem:s5+$0xFFFFFFC0];
	v12 =	vmul.f32 v18, v12;
	v14 =	vsub.f32 $0.0e+00, v14;
	v11 =	vadd.f32 v11, v1  }
0x1c9: {  	v48 =	vld [tilespmem:s0+$0xFFFFFF90];
	v17 =	vmul.f32 v17, v3;
	v15 =	vmul.f32 v21, v15  }
0x1ca: {  	v49 =	vld [tilespmem:s0+$0xFFFFFFC0];
	v13 =	vmul.f32 $1.442695020e+00, v14;
	(xrf2) =	vadd.scan.msk.f32 $0xffff, v11;
	v11 =	vmul.f32 v46, v19  }
0x1cb: {  	v51 =	vld [tilespmem:s0+$0xFFFFFFD0];
	v12 =	vmul.f32 v12, v4;
	v15 =	vmul.f32 v15, v5  }
0x1cc: {  	v23 =	vld [tilespmem:s0+$0xFFFFFFA0];
	(erf) = vpow2.f32 v13;
	v11 =	vmul.f32 v11, v9  }
0x1cd: {  	v16 =	vadd.f32 v16, v22;
	v22 =	vld [tilespmem:s5+$0xFFFFFFF0];
	v10 =	vadd.f32 v10, v20  }
0x1ce: {  	v20 =	vld [tilespmem:s5+$0xFFFFFFD0];
	v12 =	vadd.f32 v15, v12;
	v11 =	vadd.f32 v17, v11  }
0x1cf: {  	v18 =	vld [tilespmem:s0+$0xFFFFFFB0]  }
0x1d0: {  	v10 =	vadd.f32 v16, v10;
	v21 =	vld [tilespmem:s5+$0xFFFFFFB0];
	v11 =	vadd.f32 v12, v11  }
0x1d1: {  	v19 =	vld [tilespmem:s5+$0xFFFFFFA0]  }
0x1d2: {  	v13 =	vld [tilespmem:s5+$0xFFFFFF90];
	v10 =	vadd.f32 v11, v10  }
0x1d3: {  	v14 =	vld [tilespmem:s5+$0xFFFFFF80]  }
0x1d4: {  	v15 =	vld [tilespmem:s0+$0xFFFFFFE0];
	v16, _, _ =	vpop (xrf2);
	v10 =	vadd.f32 v10, v1  }
0x1d5: {  	v24 =	vmul.f32 v50, v49;
	v11 =	vld [tilespmem:s0+$0xFFFFFF80];
	v52 =	vpop (erf);
	v16 =	vsub.f32 $0.0e+00, v16  }
0x1d6: {  	v17 =	vld [tilespmem:s5+$0xFFFFFFE0];
	v18 =	vmul.f32 v21, v18;
	v19 =	vmul.f32 v19, v23;
	v27 =	vadd.f32 $1.000000000e+00, v52;
	(xrf2) =	vadd.scan.msk.f32 $0xffff, v10  }
0x1d7: {  	v12 =	vld [tilespmem:s0+$0xFFFFFFF0];
	v13 =	vmul.f32 v13, v48;
	v16 =	vmul.f32 $1.442695020e+00, v16  }
0x1d8: {  	v58 =	vld [tilespmem:s30+$0xFFFFFFB0];
	v18 =	vmul.f32 v18, v8;
	(erf) = vrcp.f32 v27  }
0x1d9: {  	v60 =	vld [tilespmem:s30+$0xFFFFFFC0];
	s5 =	simm.s32 $0x10A80;
	v10 =	vmul.f32 v13, v6;
	(erf) = vpow2.f32 v16  }
0x1da: {  	v53 =	vld [tilespmem:s5+$0x0];
	v13 =	vmul.f32 v19, v7;
	v11 =	vmul.f32 v14, v11  }
0x1db: {  	v20 =	vmul.f32 v20, v51;
	v21 =	vld [tilespmem:s5+$0x10];
	v15 =	vmul.f32 v17, v15  }
0x1dc: {  	v57 =	vld [tilespmem:s5+$0x60];
	v12 =	vmul.f32 v22, v12;
	v13 =	vadd.f32 v18, v13;
	v11 =	vmul.f32 v11, v2  }
0x1dd: {  	v24 =	vmul.f32 v24, v9;
	v20 =	vmul.f32 v20, v3;
	v29 =	vld [tilespmem:s5+$0x70]  }
0x1de: {  	v17 =	vld [tilespmem:s5+$0x30];
	v15 =	vmul.f32 v15, v4;
	v12 =	vmul.f32 v12, v5;
	v10 =	vadd.f32 v10, v11  }
0x1df: {  	v19 =	vld [tilespmem:s5+$0x20];
	v18 =	vadd.f32 v20, v24  }
0x1e0: {  	v20 =	vld [tilespmem:s5+$0x50];
	v12 =	vadd.f32 v12, v15;
	v10 =	vadd.f32 v13, v10;
	v13, _, _ =	vpop (xrf2)  }
0x1e1: {  	v16 =	vld [tilespmem:s30+$0x10];
	v56 =	vpop (erf)  }
0x1e2: {  	v11 =	vld [tilespmem:s30+$0x50];
	v12 =	vadd.f32 v12, v18;
	v13 =	vsub.f32 $0.0e+00, v13;
	v15 =	vpop (erf)  }
0x1e3: {  	v18 =	vld [tilespmem:s30+$0x60];
	v15 =	vadd.f32 $1.000000000e+00, v15  }
0x1e4: {  	v14 =	vld [tilespmem:s30+$0x30];
	v12 =	vadd.f32 v12, v10;
	v13 =	vmul.f32 $1.442695020e+00, v13  }
0x1e5: {  	v22 =	vld [tilespmem:s5+$0x40];
	v19 =	vmul.f32 v54, v19;
	(erf) = vrcp.f32 v15  }
0x1e6: {  	v23 =	vld [tilespmem:s30+$0x0];
	v16 =	vmul.f32 v16, v21;
	v12 =	vadd.f32 v12, v1;
	(erf) = vpow2.f32 v13  }
0x1e7: {  	v19 =	vmul.f32 v19, v7;
	v21 =	vld [tilespmem:s5+$0xFFFFFF90];
	v11 =	vmul.f32 v11, v20  }
0x1e8: {  	v20 =	vld [tilespmem:s30+$0xFFFFFFA0];
	v18 =	vmul.f32 v18, v57;
	v16 =	vmul.f32 v16, v6;
	(xrf2) =	vadd.scan.msk.f32 $0xffff, v12  }
0x1e9: {  	v11 =	vmul.f32 v11, v3;
	v12 =	vmul.f32 v14, v17;
	v14 =	vld [tilespmem:s5+$0xFFFFFFA0]  }
0x1ea: {  	v17 =	vmul.f32 v55, v22;
	v22 =	vmul.f32 v30, v29;
	v13 =	vld [tilespmem:s30+$0xFFFFFF90]  }
0x1eb: {  	v18 =	vmul.f32 v18, v4;
	v15 =	vmul.f32 v23, v53;
	v23 =	vld [tilespmem:s5+$0xFFFFFFB0]  }
0x1ec: {  	v62 =	vld [tilespmem:s30+$0xFFFFFFD0];
	v17 =	vmul.f32 v17, v9;
	v22 =	vmul.f32 v22, v5  }
0x1ed: {  	v59 =	vld [tilespmem:s5+$0xFFFFFFC0];
	v12 =	vmul.f32 v12, v8;
	v15 =	vmul.f32 v15, v2  }
0x1ee: {  	v10 =	vld [tilespmem:s30+$0xFFFFFF80];
	v17 =	vadd.f32 v11, v17;
	v18 =	vadd.f32 v22, v18;
	v14 =	vmul.f32 v20, v14;
	v61 =	vpop (erf)  }
0x1ef: {  	v15 =	vadd.f32 v16, v15;
	v16 =	vadd.f32 v12, v19;
	v13 =	vmul.f32 v13, v21;
	v21 =	vld [tilespmem:s5+$0xFFFFFFD0];
	v19 =	vpop (erf)  }
0x1f0: {  	v12 =	vld [tilespmem:s5+$0xFFFFFFE0];
	v17 =	vadd.f32 v18, v17;
	v22 =	vmul.f32 v58, v23;
	v19 =	vadd.f32 $1.000000000e+00, v19  }
0x1f1: {  	v23 =	vadd.f32 v16, v15;
	v11 =	vmul.f32 v13, v6;
	v13 =	vmul.f32 v14, v7;
	v14 =	vld [tilespmem:s30+$0xFFFFFFE0]  }
0x1f2: {  	s31 =	simm.s32 $0x681;
	v63 =	vmul.f32 v60, v59;
	v15 =	vld [tilespmem:s5+$0xFFFFFFF0];
	v20, _, _ =	vpop (xrf2);
	(erf) = vrcp.f32 v19  }
0x1f3: {  	[tilespmem:s31+$0x0] =	vst.msk vm0, v56;
	v16 =	vld [tilespmem:s30+$0xFFFFFFF0];
	v20 =	vsub.f32 $0.0e+00, v20;
	v19 =	vmul.f32 v22, v8;
	v22 =	vadd.f32 v17, v23  }
0x1f4: {  	s0 =	simm.s32 $0x4;
	v18 =	vld [tilespmem:s5+$0xFFFFFF80];
	s5 =	simm.s32 $0x10B80;
	[tilespmem:s31+$0xFFFFFFFF] =	vst.msk vm0, v61;
	v21 =	vmul.f32 v62, v21;
	v17 =	vmul.f32 v63, v9  }
.LBB2_6:
0x1f5: {  	v23 =	vld [tilespmem:s5+$0x0];
	v13 =	vadd.f32 v19, v13;
	v19 =	vadd.f32 v22, v1;
	s30 =	sadd.s32 $0x100, s30;
	v20 =	vmul.f32 $1.442695020e+00, v20  }
0x1f6: {  	v22 =	vld [tilespmem:s30+$0x0];
	v21 =	vmul.f32 v21, v3;
	v12 =	vmul.f32 v14, v12  }
0x1f7: {  	v14 =	vld [tilespmem:s5+$0x10];
	(xrf2) =	vadd.scan.msk.f32 $0xffff, v19;
	(erf) = vpow2.f32 v20  }
0x1f8: {  	v19 =	vld [tilespmem:s30+$0x10];
	v12 =	vmul.f32 v12, v4;
	v15 =	vmul.f32 v16, v15;
	v16 =	vadd.f32 v21, v17  }
0x1f9: {  	v17 =	vld [tilespmem:s5+$0x20];
	v10 =	vmul.f32 v10, v18  }
0x1fa: {  	v18 =	vld [tilespmem:s30+$0x20];
	v15 =	vmul.f32 v15, v5  }
0x1fb: {  	s31 =	sadd.s32 $0x2, s31;
	v20 =	vld [tilespmem:s5+$0x30];
	v10 =	vmul.f32 v10, v2;
	v21 =	vpop (erf)  }
0x1fc: {  	v24 =	vld [tilespmem:s30+$0x30];
	v12 =	vadd.f32 v15, v12;
	[tilespmem:s31+$0x0] =	vst.msk vm0, v21  }
0x1fd: {  	v15 =	vld [tilespmem:s5+$0x40];
	v10 =	vadd.f32 v11, v10  }
0x1fe: {  	v11 =	vld [tilespmem:s30+$0x40];
	v26 =	vadd.f32 v12, v16  }
0x1ff: {  	v16 =	vld [tilespmem:s5+$0x50];
	v10 =	vadd.f32 v13, v10  }
0x200: {  	v13 =	vld [tilespmem:s30+$0x50];
	v21 =	vpop (erf)  }
0x201: {  	v25 =	vld [tilespmem:s5+$0x60];
	v10 =	vadd.f32 v26, v10;
	v12, _, _ =	vpop (xrf2);
	v21 =	vadd.f32 $1.000000000e+00, v21  }
0x202: {  	v26 =	vld [tilespmem:s30+$0x60];
	v12 =	vsub.f32 $0.0e+00, v12  }
0x203: {  	v27 =	vld [tilespmem:s5+$0x70];
	v28 =	vadd.f32 v10, v1;
	(erf) = vrcp.f32 v21  }
0x204: {  	v21 =	vld [tilespmem:s30+$0x70];
	v12 =	vmul.f32 $1.442695020e+00, v12  }
0x205: {  	v22 =	vmul.f32 v22, v23;
	v10 =	vld [tilespmem:s30+$0xFFFFFF80]  }
0x206: {  	s0 =	sadd.s32 $0x2, s0;
	v14 =	vmul.f32 v19, v14;
	v23 =	vld [tilespmem:s5+$0xFFFFFF90];
	(xrf2) =	vadd.scan.msk.f32 $0xffff, v28;
	(erf) = vpow2.f32 v12  }
0x207: {  	p0 =	slt.u32 s0, $0x7E;
	v17 =	vmul.f32 v18, v17;
	v18 =	vmul.f32 v24, v20;
	v12 =	vld [tilespmem:s30+$0xFFFFFF90]  }
0x208: {  	v11 =	vmul.f32 v11, v15;
	v13 =	vmul.f32 v13, v16;
	v19 =	vld [tilespmem:s5+$0xFFFFFFA0]  }
0x209: {  	v16 =	vmul.f32 v26, v25;
	v15 =	vld [tilespmem:s30+$0xFFFFFFA0];
	v20 =	vmul.f32 v21, v27  }
0x20a: {  	v22 =	vmul.f32 v22, v2;
	v14 =	vmul.f32 v14, v6;
	v21 =	vld [tilespmem:s5+$0xFFFFFFB0]  }
0x20b: {  	v17 =	vmul.f32 v17, v7;
	v18 =	vmul.f32 v18, v8;
	v24 =	vld [tilespmem:s30+$0xFFFFFFB0]  }
0x20c: {  	v11 =	vmul.f32 v11, v9;
	v28 =	vmul.f32 v13, v3;
	v25 =	vld [tilespmem:s5+$0xFFFFFFC0];
	v26 =	vpop (erf)  }
0x20d: {  	v16 =	vmul.f32 v16, v4;
	v29 =	vmul.f32 v20, v5;
	v27 =	vld [tilespmem:s30+$0xFFFFFFC0];
	[tilespmem:s31+$0xFFFFFFFF] =	vst.msk vm0, v26  }
0x20e: {  	v22 =	vadd.f32 v14, v22;
	v17 =	vadd.f32 v18, v17;
	v12 =	vmul.f32 v12, v23;
	v23 =	vld [tilespmem:s5+$0xFFFFFFD0]  }
0x20f: {  	v16 =	vadd.f32 v29, v16;
	v14 =	vmul.f32 v15, v19;
	v15 =	vadd.f32 v28, v11;
	v26 =	vld [tilespmem:s30+$0xFFFFFFD0];
	v13 =	vpop (erf)  }
.Ltmp2:
0x210: {  	v11 =	vmul.f32 v12, v6;
	v18 =	vmul.f32 v24, v21;
	v12 =	vld [tilespmem:s5+$0xFFFFFFE0];
	v19 =	vadd.f32 $1.000000000e+00, v13;
	v20, _, _ =	vpop (xrf2);
	(pc) =	sbr.rel @p0 .LBB2_6-.Ltmp2, $4  }
0x211: {  	v17 =	vadd.f32 v17, v22;
	v13 =	vmul.f32 v14, v7;
	v21 =	vadd.f32 v16, v15;
	v14 =	vld [tilespmem:s30+$0xFFFFFFE0]  }
0x212: {  	v20 =	vsub.f32 $0.0e+00, v20;
	v24 =	vmul.f32 v27, v25;
	v15 =	vld [tilespmem:s5+$0xFFFFFFF0];
	(erf) = vrcp.f32 v19  }
0x213: {  	v19 =	vmul.f32 v18, v8;
	v22 =	vadd.f32 v21, v17;
	v16 =	vld [tilespmem:s30+$0xFFFFFFF0]  }
0x214: {  	v18 =	vld [tilespmem:s5+$0xFFFFFF80];
	v17 =	vmul.f32 v24, v9;
	v21 =	vmul.f32 v26, v23;
	s5 =	sadd.s32 $0x100, s5  }
0x215: {  	_ = 	snop  }
0x216: {  	v22 =	vadd.f32 v22, v1;
	v20 =	vmul.f32 $1.442695020e+00, v20  }
0x217: {  	v12 =	vmul.f32 v14, v12  }
0x218: {  	(xrf2) =	vadd.scan.msk.f32 $0xffff, v22;
	(erf) = vpow2.f32 v20;
	v14 =	vmul.f32 v16, v15  }
0x219: {  	v15 =	vmul.f32 v21, v3;
	v10 =	vmul.f32 v10, v18  }
0x21a: {  	v12 =	vmul.f32 v12, v4;
	v14 =	vmul.f32 v14, v5  }
0x21b: {  	v10 =	vmul.f32 v10, v2  }
0x21c: {  	v15 =	vadd.f32 v15, v17;
	v12 =	vadd.f32 v14, v12  }
0x21d: {  	v13 =	vadd.f32 v19, v13;
	v10 =	vadd.f32 v11, v10  }
0x21e: {  	v11 =	vadd.f32 v12, v15  }
0x21f: {  	v10 =	vadd.f32 v13, v10  }
0x220: {  	v12 =	vpop (erf)  }
0x221: {  	v13 =	vpop (erf);
	v10 =	vadd.f32 v11, v10  }
0x222: {  	v11, _, _ =	vpop (xrf2);
	v13 =	vadd.f32 $1.000000000e+00, v13  }
0x223: {  	v11 =	vsub.f32 $0.0e+00, v11;
	v10 =	vadd.f32 v10, v1;
	_ =	sdelay $0x1  }
0x224: {  	(erf) = vrcp.f32 v13;
	v11 =	vmul.f32 $1.442695020e+00, v11;
	(xrf2) =	vadd.scan.msk.f32 $0xffff, v10;
	_ =	sdelay $0x1  }
0x225: {  	(erf) = vpow2.f32 v11;
	_ =	sdelay $0x6  }
0x226: {  	v10 =	vpop (erf)  }
0x227: {  	v11, _, _ =	vpop (xrf2)  }
0x228: {  	v13 =	vpop (erf);
	v11 =	vsub.f32 $0.0e+00, v11  }
0x229: {  	v13 =	vadd.f32 $1.000000000e+00, v13  }
0x22a: {  	v11 =	vmul.f32 $1.442695020e+00, v11  }
0x22b: {  	(erf) = vrcp.f32 v13  }
0x22c: {  	(erf) = vpow2.f32 v11;
	_ =	sdelay $0x7  }
0x22d: {  	v11 =	vpop (erf)  }
0x22e: {  	v13 =	vpop (erf)  }
0x22f: {  	v13 =	vadd.f32 $1.000000000e+00, v13;
	_ =	sdelay $0x1  }
0x230: {  	(erf) = vrcp.f32 v13;
	_ =	sdelay $0x5  }
0x231: {  	s0 =	sadd.s32 $0x2, s31  }
0x232: {  	[tilespmem:s0+$0x0] =	vst.msk vm0, v12  }
0x233: {  	[tilespmem:s0+$0xFFFFFFFF] =	vst.msk vm0, v10;
	s0 =	sadd.s32 $0x2, s0  }
0x234: {  	[tilespmem:s0+$0x0] =	vst.msk vm0, v11;
	v10 =	vpop (erf)  }
0x235: {  	[tilespmem:s0+$0xFFFFFFFF] =	vst.msk vm0, v10  }
0x236: {  	[hbm4b:s11+s6] =	stream.linear.scatter [tilespmem:s24], [sflag:$0x5], $0x80, $0x38;
	[tilespmem:$0x18800] =	vst v63  }
0x237: {  	_ =	swait.ge [sflag:s17], $0x4000  }
0x238: {  	[sflag:s17] =	ssyncset.done $0x0  }
0x239: {  	[sflag:s17] =	ssyncadd.s32 $0xFFFFC000  }
0x23a: {  	_ =	swait.ge [sflag:s17], $0x4000  }
0x23b: {  	[sflag:s17] =	ssyncset.done $0x0  }
0x23c: {  	s0 =	simm.s32 $0x880;
	[sflag:s17] =	ssyncadd.s32 $0xFFFFC000  }
0x23d: {  	s5 =	simm.s32 $0x4880;
	v10 =	vld [tilespmem:s0+$0x0]  }
0x23e: {  	v11 =	vld [tilespmem:s5+$0x0]  }
0x23f: {  	v12 =	vld [tilespmem:s0+$0x10]  }
0x240: {  	v13 =	vld [tilespmem:s5+$0x10]  }
0x241: {  	v14 =	vld [tilespmem:s0+$0x20]  }
0x242: {  	v15 =	vld [tilespmem:s5+$0x20]  }
0x243: {  	v16 =	vld [tilespmem:s0+$0x30]  }
0x244: {  	v17 =	vld [tilespmem:s5+$0x30]  }
0x245: {  	v18 =	vld [tilespmem:s0+$0x40]  }
0x246: {  	v19 =	vld [tilespmem:s5+$0x40]  }
0x247: {  	v20 =	vld [tilespmem:s0+$0x50]  }
0x248: {  	v21 =	vld [tilespmem:s5+$0x50]  }
0x249: {  	v22 =	vld [tilespmem:s0+$0x60]  }
0x24a: {  	v23 =	vld [tilespmem:s5+$0x60]  }
0x24b: {  	v24 =	vld [tilespmem:s0+$0x70]  }
0x24c: {  	v25 =	vld [tilespmem:s5+$0x70]  }
0x24d: {  	v26 =	vld [tilespmem:s5+$0xFFFFFF80]  }
0x24e: {  	v27 =	vld [tilespmem:s0+$0xFFFFFF90]  }
0x24f: {  	v42 =	vld [tilespmem:s5+$0xFFFFFFC0]  }
0x250: {  	s30 =	simm.s32 $0x4A80;
	v43 =	vld [tilespmem:s0+$0xFFFFFFD0];
	v10 =	vmul.f32 v11, v10;
	v11 =	vmul.f32 v13, v12  }
0x251: {  	v54 =	vld [tilespmem:s30+$0x20];
	v13 =	vmul.f32 v15, v14;
	v14 =	vmul.f32 v17, v16  }
0x252: {  	v12 =	vld [tilespmem:s5+$0xFFFFFF90];
	v16 =	vmul.f32 v19, v18;
	v17 =	vmul.f32 v21, v20  }
0x253: {  	v15 =	vld [tilespmem:s0+$0xFFFFFFA0];
	v19 =	vmul.f32 v23, v22;
	v20 =	vmul.f32 v25, v24  }
0x254: {  	v18 =	vld [tilespmem:s5+$0xFFFFFFA0];
	v10 =	vmul.f32 v10, v2;
	v11 =	vmul.f32 v11, v6  }
0x255: {  	v21 =	vld [tilespmem:s0+$0xFFFFFFB0];
	v13 =	vmul.f32 v13, v7;
	v14 =	vmul.f32 v14, v8  }
0x256: {  	v22 =	vld [tilespmem:s5+$0xFFFFFFB0];
	v16 =	vmul.f32 v16, v9;
	v17 =	vmul.f32 v17, v3  }
0x257: {  	v23 =	vld [tilespmem:s0+$0xFFFFFFC0];
	v19 =	vmul.f32 v19, v4;
	v20 =	vmul.f32 v20, v5  }
0x258: {  	v10 =	vadd.f32 v11, v10;
	v11 =	vadd.f32 v14, v13;
	v13 =	vld [tilespmem:s5+$0xFFFFFFD0]  }
0x259: {  	v14 =	vadd.f32 v17, v16;
	v16 =	vadd.f32 v20, v19;
	v17 =	vld [tilespmem:s0+$0xFFFFFFE0]  }
0x25a: {  	v19 =	vld [tilespmem:s5+$0xFFFFFFE0]  }
0x25b: {  	v10 =	vadd.f32 v11, v10;
	v11 =	vadd.f32 v16, v14;
	v14 =	vld [tilespmem:s0+$0xFFFFFFF0]  }
0x25c: {  	v16 =	vld [tilespmem:s5+$0xFFFFFFF0];
	s5 =	simm.s32 $0x4980  }
0x25d: {  	v28 =	vld [tilespmem:s5+$0x0]  }
0x25e: {  	v21 =	vmul.f32 v22, v21;
	v22 =	vld [tilespmem:s5+$0x20]  }
0x25f: {  	v46 =	vld [tilespmem:s5+$0x40]  }
0x260: {  	v10 =	vadd.f32 v11, v10;
	v11 =	vld [tilespmem:s0+$0xFFFFFF80];
	s0 =	simm.s32 $0x980  }
0x261: {  	v12 =	vmul.f32 v12, v27;
	v15 =	vmul.f32 v18, v15;
	v20 =	vld [tilespmem:s0+$0x0]  }
0x262: {  	v18 =	vmul.f32 v42, v23;
	v44 =	vld [tilespmem:s0+$0x10]  }
0x263: {  	v12 =	vmul.f32 v12, v6;
	v15 =	vmul.f32 v15, v7;
	v23 =	vld [tilespmem:s0+$0x20];
	v10 =	vadd.f32 v10, v1  }
0x264: {  	v18 =	vmul.f32 v18, v9;
	v21 =	vmul.f32 v21, v8;
	v45 =	vld [tilespmem:s0+$0x30]  }
0x265: {  	v13 =	vmul.f32 v13, v43;
	v17 =	vmul.f32 v19, v17;
	v47 =	vld [tilespmem:s0+$0x50];
	(xrf2) =	vadd.scan.msk.f32 $0xffff, v10  }
0x266: {  	v15 =	vadd.f32 v21, v15;
	v21 =	vld [tilespmem:s5+$0x70];
	v14 =	vmul.f32 v16, v14;
	v11 =	vmul.f32 v26, v11  }
0x267: {  	v16 =	vld [tilespmem:s5+$0x30];
	v13 =	vmul.f32 v13, v3;
	v17 =	vmul.f32 v17, v4  }
0x268: {  	v10 =	vld [tilespmem:s5+$0x10];
	v14 =	vmul.f32 v14, v5;
	v11 =	vmul.f32 v11, v2  }
0x269: {  	v13 =	vadd.f32 v13, v18;
	v18 =	vld [tilespmem:s5+$0x60]  }
0x26a: {  	v14 =	vadd.f32 v14, v17;
	v17 =	vld [tilespmem:s5+$0x50];
	v11 =	vadd.f32 v12, v11  }
0x26b: {  	v20 =	vmul.f32 v28, v20;
	v22 =	vmul.f32 v22, v23;
	v12 =	vld [tilespmem:s0+$0x60]  }
0x26c: {  	v16 =	vmul.f32 v16, v45;
	v13 =	vadd.f32 v14, v13;
	v11 =	vadd.f32 v15, v11;
	v15 =	vld [tilespmem:s0+$0x70]  }
0x26d: {  	v19 =	vld [tilespmem:s0+$0x40];
	v20 =	vmul.f32 v20, v2;
	v10 =	vmul.f32 v10, v44  }
0x26e: {  	v55 =	vld [tilespmem:s30+$0x40];
	v22 =	vmul.f32 v22, v7;
	v16 =	vmul.f32 v16, v8;
	v11 =	vadd.f32 v13, v11  }
0x26f: {  	v30 =	vld [tilespmem:s30+$0x70];
	v10 =	vmul.f32 v10, v6;
	v17 =	vmul.f32 v17, v47;
	v14, _, _ =	vpop (xrf2)  }
0x270: {  	v50 =	vld [tilespmem:s5+$0xFFFFFFC0];
	v12 =	vmul.f32 v18, v12;
	v14 =	vsub.f32 $0.0e+00, v14;
	v11 =	vadd.f32 v11, v1  }
0x271: {  	v48 =	vld [tilespmem:s0+$0xFFFFFF90];
	v17 =	vmul.f32 v17, v3;
	v15 =	vmul.f32 v21, v15  }
0x272: {  	v49 =	vld [tilespmem:s0+$0xFFFFFFC0];
	v13 =	vmul.f32 $1.442695020e+00, v14;
	(xrf2) =	vadd.scan.msk.f32 $0xffff, v11;
	v11 =	vmul.f32 v46, v19  }
0x273: {  	v51 =	vld [tilespmem:s0+$0xFFFFFFD0];
	v12 =	vmul.f32 v12, v4;
	v15 =	vmul.f32 v15, v5  }
0x274: {  	v23 =	vld [tilespmem:s0+$0xFFFFFFA0];
	(erf) = vpow2.f32 v13;
	v11 =	vmul.f32 v11, v9  }
0x275: {  	v16 =	vadd.f32 v16, v22;
	v22 =	vld [tilespmem:s5+$0xFFFFFFF0];
	v10 =	vadd.f32 v10, v20  }
0x276: {  	v20 =	vld [tilespmem:s5+$0xFFFFFFD0];
	v12 =	vadd.f32 v15, v12;
	v11 =	vadd.f32 v17, v11  }
0x277: {  	v18 =	vld [tilespmem:s0+$0xFFFFFFB0]  }
0x278: {  	v10 =	vadd.f32 v16, v10;
	v21 =	vld [tilespmem:s5+$0xFFFFFFB0];
	v11 =	vadd.f32 v12, v11  }
0x279: {  	v19 =	vld [tilespmem:s5+$0xFFFFFFA0]  }
0x27a: {  	v13 =	vld [tilespmem:s5+$0xFFFFFF90];
	v10 =	vadd.f32 v11, v10  }
0x27b: {  	v14 =	vld [tilespmem:s5+$0xFFFFFF80]  }
0x27c: {  	v15 =	vld [tilespmem:s0+$0xFFFFFFE0];
	v16, _, _ =	vpop (xrf2);
	v10 =	vadd.f32 v10, v1  }
0x27d: {  	v24 =	vmul.f32 v50, v49;
	v11 =	vld [tilespmem:s0+$0xFFFFFF80];
	v52 =	vpop (erf);
	v16 =	vsub.f32 $0.0e+00, v16  }
0x27e: {  	v17 =	vld [tilespmem:s5+$0xFFFFFFE0];
	v18 =	vmul.f32 v21, v18;
	v19 =	vmul.f32 v19, v23;
	v27 =	vadd.f32 $1.000000000e+00, v52;
	(xrf2) =	vadd.scan.msk.f32 $0xffff, v10  }
0x27f: {  	v12 =	vld [tilespmem:s0+$0xFFFFFFF0];
	v13 =	vmul.f32 v13, v48;
	v16 =	vmul.f32 $1.442695020e+00, v16  }
0x280: {  	v58 =	vld [tilespmem:s30+$0xFFFFFFB0];
	v18 =	vmul.f32 v18, v8;
	(erf) = vrcp.f32 v27  }
0x281: {  	v60 =	vld [tilespmem:s30+$0xFFFFFFC0];
	s5 =	simm.s32 $0xA80;
	v10 =	vmul.f32 v13, v6;
	(erf) = vpow2.f32 v16  }
0x282: {  	v53 =	vld [tilespmem:s5+$0x0];
	v13 =	vmul.f32 v19, v7;
	v11 =	vmul.f32 v14, v11  }
0x283: {  	v20 =	vmul.f32 v20, v51;
	v21 =	vld [tilespmem:s5+$0x10];
	v15 =	vmul.f32 v17, v15  }
0x284: {  	v57 =	vld [tilespmem:s5+$0x60];
	v12 =	vmul.f32 v22, v12;
	v13 =	vadd.f32 v18, v13;
	v11 =	vmul.f32 v11, v2  }
0x285: {  	v24 =	vmul.f32 v24, v9;
	v20 =	vmul.f32 v20, v3;
	v29 =	vld [tilespmem:s5+$0x70]  }
0x286: {  	v17 =	vld [tilespmem:s5+$0x30];
	v15 =	vmul.f32 v15, v4;
	v12 =	vmul.f32 v12, v5;
	v10 =	vadd.f32 v10, v11  }
0x287: {  	v19 =	vld [tilespmem:s5+$0x20];
	v18 =	vadd.f32 v20, v24  }
0x288: {  	v20 =	vld [tilespmem:s5+$0x50];
	v12 =	vadd.f32 v12, v15;
	v10 =	vadd.f32 v13, v10;
	v13, _, _ =	vpop (xrf2)  }
0x289: {  	v16 =	vld [tilespmem:s30+$0x10];
	v56 =	vpop (erf)  }
0x28a: {  	v11 =	vld [tilespmem:s30+$0x50];
	v12 =	vadd.f32 v12, v18;
	v13 =	vsub.f32 $0.0e+00, v13;
	v15 =	vpop (erf)  }
0x28b: {  	v18 =	vld [tilespmem:s30+$0x60];
	v15 =	vadd.f32 $1.000000000e+00, v15  }
0x28c: {  	v14 =	vld [tilespmem:s30+$0x30];
	v12 =	vadd.f32 v12, v10;
	v13 =	vmul.f32 $1.442695020e+00, v13  }
0x28d: {  	v22 =	vld [tilespmem:s5+$0x40];
	v19 =	vmul.f32 v54, v19;
	(erf) = vrcp.f32 v15  }
0x28e: {  	v23 =	vld [tilespmem:s30+$0x0];
	v16 =	vmul.f32 v16, v21;
	v12 =	vadd.f32 v12, v1;
	(erf) = vpow2.f32 v13  }
0x28f: {  	v19 =	vmul.f32 v19, v7;
	v21 =	vld [tilespmem:s5+$0xFFFFFF90];
	v11 =	vmul.f32 v11, v20  }
0x290: {  	v20 =	vld [tilespmem:s30+$0xFFFFFFA0];
	v18 =	vmul.f32 v18, v57;
	v16 =	vmul.f32 v16, v6;
	(xrf2) =	vadd.scan.msk.f32 $0xffff, v12  }
0x291: {  	v11 =	vmul.f32 v11, v3;
	v12 =	vmul.f32 v14, v17;
	v14 =	vld [tilespmem:s5+$0xFFFFFFA0]  }
0x292: {  	v17 =	vmul.f32 v55, v22;
	v22 =	vmul.f32 v30, v29;
	v13 =	vld [tilespmem:s30+$0xFFFFFF90]  }
0x293: {  	v18 =	vmul.f32 v18, v4;
	v15 =	vmul.f32 v23, v53;
	v23 =	vld [tilespmem:s5+$0xFFFFFFB0]  }
0x294: {  	v62 =	vld [tilespmem:s30+$0xFFFFFFD0];
	v17 =	vmul.f32 v17, v9;
	v22 =	vmul.f32 v22, v5  }
0x295: {  	v59 =	vld [tilespmem:s5+$0xFFFFFFC0];
	v12 =	vmul.f32 v12, v8;
	v15 =	vmul.f32 v15, v2  }
0x296: {  	v10 =	vld [tilespmem:s30+$0xFFFFFF80];
	v17 =	vadd.f32 v11, v17;
	v18 =	vadd.f32 v22, v18;
	v14 =	vmul.f32 v20, v14;
	v61 =	vpop (erf)  }
0x297: {  	v15 =	vadd.f32 v16, v15;
	v16 =	vadd.f32 v12, v19;
	v13 =	vmul.f32 v13, v21;
	v21 =	vld [tilespmem:s5+$0xFFFFFFD0];
	v19 =	vpop (erf)  }
0x298: {  	v12 =	vld [tilespmem:s5+$0xFFFFFFE0];
	v17 =	vadd.f32 v18, v17;
	v22 =	vmul.f32 v58, v23;
	v19 =	vadd.f32 $1.000000000e+00, v19  }
0x299: {  	v23 =	vadd.f32 v16, v15;
	v11 =	vmul.f32 v13, v6;
	v13 =	vmul.f32 v14, v7;
	v14 =	vld [tilespmem:s30+$0xFFFFFFE0]  }
0x29a: {  	s31 =	simm.s32 $0x701;
	v63 =	vmul.f32 v60, v59;
	v15 =	vld [tilespmem:s5+$0xFFFFFFF0];
	v20, _, _ =	vpop (xrf2);
	(erf) = vrcp.f32 v19  }
0x29b: {  	[tilespmem:s31+$0x0] =	vst.msk vm0, v56;
	v16 =	vld [tilespmem:s30+$0xFFFFFFF0];
	v20 =	vsub.f32 $0.0e+00, v20;
	v19 =	vmul.f32 v22, v8;
	v22 =	vadd.f32 v17, v23  }
0x29c: {  	s0 =	simm.s32 $0x4;
	v18 =	vld [tilespmem:s5+$0xFFFFFF80];
	s5 =	simm.s32 $0xB80;
	[tilespmem:s31+$0xFFFFFFFF] =	vst.msk vm0, v61;
	v21 =	vmul.f32 v62, v21;
	v17 =	vmul.f32 v63, v9  }
.LBB2_8:
0x29d: {  	v23 =	vld [tilespmem:s5+$0x0];
	v13 =	vadd.f32 v19, v13;
	v19 =	vadd.f32 v22, v1;
	s30 =	sadd.s32 $0x100, s30;
	v20 =	vmul.f32 $1.442695020e+00, v20  }
0x29e: {  	v22 =	vld [tilespmem:s30+$0x0];
	v21 =	vmul.f32 v21, v3;
	v12 =	vmul.f32 v14, v12  }
0x29f: {  	v14 =	vld [tilespmem:s5+$0x10];
	(xrf2) =	vadd.scan.msk.f32 $0xffff, v19;
	(erf) = vpow2.f32 v20  }
0x2a0: {  	v19 =	vld [tilespmem:s30+$0x10];
	v12 =	vmul.f32 v12, v4;
	v15 =	vmul.f32 v16, v15;
	v16 =	vadd.f32 v21, v17  }
0x2a1: {  	v17 =	vld [tilespmem:s5+$0x20];
	v10 =	vmul.f32 v10, v18  }
0x2a2: {  	v18 =	vld [tilespmem:s30+$0x20];
	v15 =	vmul.f32 v15, v5  }
0x2a3: {  	s31 =	sadd.s32 $0x2, s31;
	v20 =	vld [tilespmem:s5+$0x30];
	v10 =	vmul.f32 v10, v2;
	v21 =	vpop (erf)  }
0x2a4: {  	v24 =	vld [tilespmem:s30+$0x30];
	v12 =	vadd.f32 v15, v12;
	[tilespmem:s31+$0x0] =	vst.msk vm0, v21  }
0x2a5: {  	v15 =	vld [tilespmem:s5+$0x40];
	v10 =	vadd.f32 v11, v10  }
0x2a6: {  	v11 =	vld [tilespmem:s30+$0x40];
	v26 =	vadd.f32 v12, v16  }
0x2a7: {  	v16 =	vld [tilespmem:s5+$0x50];
	v10 =	vadd.f32 v13, v10  }
0x2a8: {  	v13 =	vld [tilespmem:s30+$0x50];
	v21 =	vpop (erf)  }
0x2a9: {  	v25 =	vld [tilespmem:s5+$0x60];
	v10 =	vadd.f32 v26, v10;
	v12, _, _ =	vpop (xrf2);
	v21 =	vadd.f32 $1.000000000e+00, v21  }
0x2aa: {  	v26 =	vld [tilespmem:s30+$0x60];
	v12 =	vsub.f32 $0.0e+00, v12  }
0x2ab: {  	v27 =	vld [tilespmem:s5+$0x70];
	v28 =	vadd.f32 v10, v1;
	(erf) = vrcp.f32 v21  }
0x2ac: {  	v21 =	vld [tilespmem:s30+$0x70];
	v12 =	vmul.f32 $1.442695020e+00, v12  }
0x2ad: {  	v22 =	vmul.f32 v22, v23;
	v10 =	vld [tilespmem:s30+$0xFFFFFF80]  }
0x2ae: {  	s0 =	sadd.s32 $0x2, s0;
	v14 =	vmul.f32 v19, v14;
	v23 =	vld [tilespmem:s5+$0xFFFFFF90];
	(xrf2) =	vadd.scan.msk.f32 $0xffff, v28;
	(erf) = vpow2.f32 v12  }
0x2af: {  	p0 =	slt.u32 s0, $0x7E;
	v17 =	vmul.f32 v18, v17;
	v18 =	vmul.f32 v24, v20;
	v12 =	vld [tilespmem:s30+$0xFFFFFF90]  }
0x2b0: {  	v11 =	vmul.f32 v11, v15;
	v13 =	vmul.f32 v13, v16;
	v19 =	vld [tilespmem:s5+$0xFFFFFFA0]  }
0x2b1: {  	v16 =	vmul.f32 v26, v25;
	v15 =	vld [tilespmem:s30+$0xFFFFFFA0];
	v20 =	vmul.f32 v21, v27  }
0x2b2: {  	v22 =	vmul.f32 v22, v2;
	v14 =	vmul.f32 v14, v6;
	v21 =	vld [tilespmem:s5+$0xFFFFFFB0]  }
0x2b3: {  	v17 =	vmul.f32 v17, v7;
	v18 =	vmul.f32 v18, v8;
	v24 =	vld [tilespmem:s30+$0xFFFFFFB0]  }
0x2b4: {  	v11 =	vmul.f32 v11, v9;
	v28 =	vmul.f32 v13, v3;
	v25 =	vld [tilespmem:s5+$0xFFFFFFC0];
	v26 =	vpop (erf)  }
0x2b5: {  	v16 =	vmul.f32 v16, v4;
	v29 =	vmul.f32 v20, v5;
	v27 =	vld [tilespmem:s30+$0xFFFFFFC0];
	[tilespmem:s31+$0xFFFFFFFF] =	vst.msk vm0, v26  }
0x2b6: {  	v22 =	vadd.f32 v14, v22;
	v17 =	vadd.f32 v18, v17;
	v12 =	vmul.f32 v12, v23;
	v23 =	vld [tilespmem:s5+$0xFFFFFFD0]  }
0x2b7: {  	v16 =	vadd.f32 v29, v16;
	v14 =	vmul.f32 v15, v19;
	v15 =	vadd.f32 v28, v11;
	v26 =	vld [tilespmem:s30+$0xFFFFFFD0];
	v13 =	vpop (erf)  }
.Ltmp3:
0x2b8: {  	v11 =	vmul.f32 v12, v6;
	v18 =	vmul.f32 v24, v21;
	v12 =	vld [tilespmem:s5+$0xFFFFFFE0];
	v19 =	vadd.f32 $1.000000000e+00, v13;
	v20, _, _ =	vpop (xrf2);
	(pc) =	sbr.rel @p0 .LBB2_8-.Ltmp3, $4  }
0x2b9: {  	v17 =	vadd.f32 v17, v22;
	v13 =	vmul.f32 v14, v7;
	v21 =	vadd.f32 v16, v15;
	v14 =	vld [tilespmem:s30+$0xFFFFFFE0]  }
0x2ba: {  	v20 =	vsub.f32 $0.0e+00, v20;
	v24 =	vmul.f32 v27, v25;
	v15 =	vld [tilespmem:s5+$0xFFFFFFF0];
	(erf) = vrcp.f32 v19  }
0x2bb: {  	v19 =	vmul.f32 v18, v8;
	v22 =	vadd.f32 v21, v17;
	v16 =	vld [tilespmem:s30+$0xFFFFFFF0]  }
0x2bc: {  	v18 =	vld [tilespmem:s5+$0xFFFFFF80];
	v17 =	vmul.f32 v24, v9;
	v21 =	vmul.f32 v26, v23;
	s5 =	sadd.s32 $0x100, s5  }
0x2bd: {  	_ = 	snop  }
0x2be: {  	v6 =	vadd.f32 v22, v1;
	v7 =	vmul.f32 $1.442695020e+00, v20  }
0x2bf: {  	v8 =	vmul.f32 v14, v12  }
0x2c0: {  	(xrf2) =	vadd.scan.msk.f32 $0xffff, v6;
	(erf) = vpow2.f32 v7;
	v59 =	vmul.f32 v16, v15  }
0x2c1: {  	v3 =	vmul.f32 v21, v3;
	v60 =	vmul.f32 v10, v18  }
0x2c2: {  	v4 =	vmul.f32 v8, v4;
	v5 =	vmul.f32 v59, v5  }
0x2c3: {  	v2 =	vmul.f32 v60, v2  }
0x2c4: {  	v3 =	vadd.f32 v3, v17;
	v4 =	vadd.f32 v5, v4  }
0x2c5: {  	v61 =	vadd.f32 v19, v13;
	v2 =	vadd.f32 v11, v2  }
0x2c6: {  	v3 =	vadd.f32 v4, v3  }
0x2c7: {  	v2 =	vadd.f32 v61, v2  }
0x2c8: {  	v62 =	vpop (erf)  }
0x2c9: {  	v63 =	vpop (erf);
	v2 =	vadd.f32 v3, v2  }
0x2ca: {  	v5 =	vadd.f32 $1.000000000e+00, v63;
	v3, _, _ =	vpop (xrf2)  }
0x2cb: {  	v3 =	vsub.f32 $0.0e+00, v3;
	v1 =	vadd.f32 v2, v1;
	_ =	sdelay $0x1  }
0x2cc: {  	(erf) = vrcp.f32 v5;
	v2 =	vmul.f32 $1.442695020e+00, v3;
	(xrf2) =	vadd.scan.msk.f32 $0xffff, v1;
	_ =	sdelay $0x1  }
0x2cd: {  	(erf) = vpow2.f32 v2;
	_ =	sdelay $0x6  }
0x2ce: {  	v1 =	vpop (erf)  }
0x2cf: {  	v2, _, _ =	vpop (xrf2)  }
0x2d0: {  	v3 =	vpop (erf);
	v2 =	vsub.f32 $0.0e+00, v2  }
0x2d1: {  	v3 =	vadd.f32 $1.000000000e+00, v3  }
0x2d2: {  	v2 =	vmul.f32 $1.442695020e+00, v2  }
0x2d3: {  	(erf) = vrcp.f32 v3  }
0x2d4: {  	(erf) = vpow2.f32 v2;
	_ =	sdelay $0x7  }
0x2d5: {  	v2 =	vpop (erf)  }
0x2d6: {  	v3 =	vpop (erf)  }
0x2d7: {  	v3 =	vadd.f32 $1.000000000e+00, v3;
	_ =	sdelay $0x1  }
0x2d8: {  	(erf) = vrcp.f32 v3;
	_ =	sdelay $0x5  }
0x2d9: {  	s0 =	sadd.s32 $0x2, s31  }
0x2da: {  	[tilespmem:s0+$0x0] =	vst.msk vm0, v62  }
0x2db: {  	[tilespmem:s0+$0xFFFFFFFF] =	vst.msk vm0, v1;
	s0 =	sadd.s32 $0x2, s0  }
0x2dc: {  	[tilespmem:s0+$0x0] =	vst.msk vm0, v2;
	v1 =	vpop (erf)  }
0x2dd: {  	[tilespmem:s0+$0xFFFFFFFF] =	vst.msk vm0, v1  }
0x2de: {  	[hbm4b:s12+s6] =	stream.linear.scatter [tilespmem:s25], [sflag:$0x5], $0x80, $0x38;
	[tilespmem:$0x18800] =	vst v63  }
0x2df: {  	_ =	swait.ge [sflag:s26], $0x80  }
0x2e0: {  	[sflag:s26] =	ssyncset.done $0x0  }
0x2e1: {  	[sflag:s26] =	ssyncadd.s32 $0xFFFFFF80  }
0x2e2: {  	_ =	swait.ge [sflag:s26], $0x80  }
0x2e3: {  	[sflag:s26] =	ssyncset.done $0x0  }
0x2e4: {  	s29 =	sadd.s32 $0x1, s29;
	[sflag:s26] =	ssyncadd.s32 $0xFFFFFF80  }
0x2e5: {  	p0 =	sne.s32 s29, s13;
	_ =	swait.ge [sflag:s26], $0x80  }
.Ltmp4:
0x2e6: {  	[sflag:s26] =	ssyncset.done $0x0;
	(pc) =	sbr.rel @p0 .LBB2_1-.Ltmp4, $4  }
0x2e7: {  	[sflag:s26] =	ssyncadd.s32 $0xFFFFFF80  }
0x2e8: {  	_ =	swait.ge [sflag:s26], $0x80  }
0x2e9: {  	[sflag:s26] =	ssyncset.done $0x0  }
0x2ea: {  	[sflag:s26] =	ssyncadd.s32 $0xFFFFFF80  }
0x2eb: {  	_ =	sfence.sel $0x180000  }
0x2ec: {  	[bflag:$0x0] =	sbarrier.arrive $0xFFFF  }
0x2ed: {  	_ =	strace $0x90000047  }
0x2ee: {  	s0 =	stileid.u32;
	[bflag:$0x2] =	sbarrier.arrive $0xFFFF  }
0x2ef: {  	p0 =	sne.s32 s0, $0x0;
	s0 =	rddreg [dreg:$0x7]  }
0x2f0: {  	s0 =	sadd.s32 @!p0 $0x100000, s0  }
0x2f1: {  	[sflag:s0] =	ssyncadd.tile.s32 @!p0 $0x1;
	_ =	shalt  }
.Lfunc_end2:
_tile_overlayer_lowered:
.L_overlay_start_2:
0x2f2: {  	(tag) =	ssettag $0x2  }
0x2f3: {  	s0 =	rddreg [dreg:$0x0];
	s2 =	stileid.u32  }
0x2f4: {  	s1 =	rddreg [dreg:$0x1];
	p0 =	sne.s32 s2, $0x0  }
0x2f5: {  	s3 =	rddreg [dreg:$0x2];
	[bflag:$0x3] =	sbarrier.arrive $0xFFFF;
	s2 =	simm.s32 @!p0 $0x1C07  }
0x2f6: {  	[timem:s3], [sflag:s2] =	dma.local @!p0 [hbm:s0], s1  }
0x2f7: {  	s0 =	simm.s32 @!p0 $0x7  }
0x2f8: {  	_ =	swait.ge @!p0 [sflag:s0], s1  }
0x2f9: {  	s1 =	ssub.s32 @!p0 $0x0, s1;
	[sflag:s0] =	ssyncset.done @!p0 $0x0  }
0x2fa: {  	[sflag:s0] =	ssyncadd.s32 @!p0 s1  }
0x2fb: {  	[bflag:$0x3] =	sbarrier.arrive $0xFFFF  }
0x2fc: {  	_ =	shalt  }

</sc_bundles>
